<compile_context>
chip_gen: v7x
topology: tpu7x:2x2x1
jax: 0.10.2.dev20260603
libtpu: 0.0.44.dev20260713+nightly
codegen_flags: <defaults>
</compile_context>

<pallas_src>
import jax
import jax.numpy as jnp
from jax import lax
from jax.experimental import pallas as pl
from jax.experimental.pallas import tpu as pltpu
from jax.experimental.pallas import tpu_sc as plsc

_D_IN = 2048
_PKM = 1000
_PAD = 1024
_K = 32
_N_TOK = 8192
_BLK = 512
_NEG_PAD = -1e30
_DEAD = -3e38

_NC = 2
_NS = 16
_L = 16
_NW = _NC * _NS
_RPW = _N_TOK // _NW
_RB = 32
_NBATCH = _RPW // _RB

_AB = [(a, b) for a in range(_K) for b in range(_K) if (a + 1) * (b + 1) <= _K]
_NCAND = 128
_NSPLIT = 1



def _mm_body(x_ref, w_ref, b_ref, h_ref, t_ref):
    h = jnp.dot(x_ref[...], w_ref[...], preferred_element_type=jnp.float32)
    h = h + b_ref[...]
    h_ref[...] = h

    def thresh(v):
        w = _PAD
        while w > _K:
            w //= 2
            v = jnp.maximum(v[:, :w], v[:, w:])
        return jnp.min(v, axis=1, keepdims=True)

    t_ref[...] = jnp.concatenate(
        [thresh(h[:, :_PAD]), thresh(h[:, _PAD:])], axis=1)


def _matmul(x, wpt, bp):
    ntok = x.shape[0]
    fixed = lambda i: (0, 0)
    return pl.pallas_call(
        _mm_body,
        grid=(ntok // _BLK,),
        in_specs=[
            pl.BlockSpec((_BLK, _D_IN), lambda i: (i, 0)),
            pl.BlockSpec((_D_IN, 2 * _PAD), fixed),
            pl.BlockSpec((1, 2 * _PAD), fixed),
        ],
        out_specs=[
            pl.BlockSpec((_BLK, 2 * _PAD), lambda i: (i, 0)),
            pl.BlockSpec((_BLK, 2), lambda i: (i, 0)),
        ],
        out_shape=[
            jax.ShapeDtypeStruct((ntok, 2 * _PAD), jnp.float32),
            jax.ShapeDtypeStruct((ntok, 2), jnp.float32),
        ],
        compiler_params=pltpu.CompilerParams(
            dimension_semantics=("parallel",),
        ),
    )(x, wpt, bp)



def _sortkv(keys, vals):
    return plsc.sort_key_val(keys, vals, descending=True)


def _minmax_kv(ak, av, bk, bv):
    m = ak >= bk
    hk = jnp.where(m, ak, bk)
    hv = jnp.where(m, av, bv)
    lk = jnp.where(m, bk, ak)
    lv = jnp.where(m, bv, av)
    return hk, hv, lk, lv


def _merge16_full(c1k, c1v, c2k, c2v):
    r2k = lax.rev(c2k, (0,))
    r2v = lax.rev(c2v, (0,))
    hk, hv, lk, lv = _minmax_kv(c1k, c1v, r2k, r2v)
    t1k, t1v = _sortkv(hk, hv)
    t2k, t2v = _sortkv(lk, lv)
    return t1k, t1v, t2k, t2v


def _merge32_top(r1k, r1v, r2k, r2v, t1k, t1v, t2k, t2v):
    x1k, x1v, _, _ = _minmax_kv(r1k, r1v, lax.rev(t2k, (0,)),
                                lax.rev(t2v, (0,)))
    x2k, x2v, _, _ = _minmax_kv(r2k, r2v, lax.rev(t1k, (0,)),
                                lax.rev(t1v, (0,)))
    y1k, y1v, y2k, y2v = _minmax_kv(x1k, x1v, x2k, x2v)
    r1k, r1v = _sortkv(y1k, y1v)
    r2k, r2v = _sortkv(y2k, y2v)
    return r1k, r1v, r2k, r2v


def _make_sc_body(rpw, nbatch):
  def _sc_body(h_hbm, t_hbm, at_hbm, bt_hbm, pv_hbm, ow_hbm, oi_hbm,
               hbuf, tbuf, sidx, sidx2, w12, i12, atv, btv, pvv,
               wout, iout):
    wid = lax.axis_index("s") * _NC + lax.axis_index("c")
    row0 = wid * rpw
    pltpu.sync_copy(at_hbm, atv)
    pltpu.sync_copy(bt_hbm, btv)
    pltpu.sync_copy(pv_hbm, pvv)
    iota = lax.broadcasted_iota(jnp.int32, (_L,), 0)
    negv = jnp.full((_L,), _DEAD, jnp.float32)
    bigv = jnp.full((_L,), 1 << 30, jnp.int32)

    def compact_both(rl, t1, t2):
        def comp(j, c):
            oa, ob = c
            for u in range(2):
                basea = 4 * _L * j + 2 * _L * u
                baseb = basea + _PAD
                va1 = hbuf[rl, pl.ds(basea, _L)]
                va2 = hbuf[rl, pl.ds(basea + _L, _L)]
                vb1 = hbuf[rl, pl.ds(baseb, _L)]
                vb2 = hbuf[rl, pl.ds(baseb + _L, _L)]
                ma1 = va1 >= t1
                ma2 = va2 >= t1
                mb1 = vb1 >= t2
                mb2 = vb2 >= t2
                ix = iota + basea
                plsc.store_compressed(sidx.at[pl.ds(oa, _L)], ix, mask=ma1)
                plsc.store_compressed(sidx2.at[pl.ds(ob, _L)], ix, mask=mb1)
                oa1 = oa + plsc.all_reduce_population_count(ma1)[0]
                ob1 = ob + plsc.all_reduce_population_count(mb1)[0]
                plsc.store_compressed(sidx.at[pl.ds(oa1, _L)], ix + _L,
                                      mask=ma2)
                plsc.store_compressed(sidx2.at[pl.ds(ob1, _L)], ix + _L,
                                      mask=mb2)
                oa = oa1 + plsc.all_reduce_population_count(ma2)[0]
                ob = ob1 + plsc.all_reduce_population_count(mb2)[0]
            return (oa, ob)

        oa, ob = lax.fori_loop(0, _PAD // (4 * _L), comp,
                               (jnp.int32(0), jnp.int32(0)))
        padv_i = jnp.full((_L,), _PAD - 1, jnp.int32)
        sidx[pl.ds(oa, _L)] = padv_i
        sidx[pl.ds(oa + _L, _L)] = padv_i
        sidx2[pl.ds(ob, _L)] = padv_i
        sidx2[pl.ds(ob + _L, _L)] = padv_i
        return oa, ob

    def merge_both(rl, oa, ob):
        npa = (oa + 2 * _L - 1) // (2 * _L)
        npb = (ob + 2 * _L - 1) // (2 * _L)
        npmax = jnp.maximum(npa, npb)

        rls = jnp.zeros((_L,), jnp.int32) + rl

        def one(iref, coloff, b, r):
            i1 = iref[pl.ds(b, _L)] & (_PAD - 1)
            i2 = iref[pl.ds(b + _L, _L)] & (_PAD - 1)
            v1 = plsc.load_gather(hbuf, [rls, i1 + coloff])
            v2 = plsc.load_gather(hbuf, [rls, i2 + coloff])
            c1k, c1v = _sortkv(v1, i1)
            c2k, c2v = _sortkv(v2, i2)
            t1k, t1v, t2k, t2v = _merge16_full(c1k, c1v, c2k, c2v)
            return _merge32_top(*r, t1k, t1v, t2k, t2v)

        def mstep(j, c):
            ra, rb = c[:4], c[4:]
            b = 2 * _L * j
            na = one(sidx, 0, b, ra)
            nb = one(sidx2, _PAD, b, rb)
            ina = j < npa
            inb = j < npb
            ra = tuple(jnp.where(ina, n, o) for n, o in zip(na, ra))
            rb = tuple(jnp.where(inb, n, o) for n, o in zip(nb, rb))
            return ra + rb

        init = (negv, bigv, negv, bigv)
        return lax.fori_loop(0, npmax, mstep, init + init)

    def row_body(r_glob):
        rl = r_glob % _RB
        tv = tbuf[pl.ds(2 * rl, _L)]
        oa, ob = compact_both(rl, tv[0], tv[1])
        (w1a, p1a, w1b, p1b,
         w2a, p2a, w2b, p2b) = merge_both(rl, oa, ob)
        w12[pl.ds(0, _L)] = w1a
        w12[pl.ds(_L, _L)] = w1b
        w12[pl.ds(2 * _L, _L)] = w2a
        w12[pl.ds(3 * _L, _L)] = w2b
        i12[pl.ds(0, _L)] = p1a
        i12[pl.ds(_L, _L)] = p1b
        i12[pl.ds(2 * _L, _L)] = p2a
        i12[pl.ds(3 * _L, _L)] = p2b

        def cchunk(jj):
            ai = atv[pl.ds(_L * jj, _L)]
            bi = btv[pl.ds(_L * jj, _L)]
            pv = pvv[pl.ds(_L * jj, _L)]
            ga = plsc.load_gather(w12, [ai])
            gb = plsc.load_gather(w12, [bi])
            ia = plsc.load_gather(i12, [ai])
            ib = plsc.load_gather(i12, [bi])
            ck = jnp.maximum(ga + gb, 0.0) + pv
            cv = ia * _PKM + ib
            return _sortkv(ck, cv)

        def cpair(j):
            c1k, c1v = cchunk(2 * j)
            c2k, c2v = cchunk(2 * j + 1)
            return _merge16_full(c1k, c1v, c2k, c2v)

        t0, t1_, t2_, t3 = cpair(0), cpair(1), cpair(2), cpair(3)
        r01 = _merge32_top(*t0, *t1_)
        r23 = _merge32_top(*t2_, *t3)
        r1, v1, r2, v2 = _merge32_top(*r01, *r23)

        out_off = r_glob * _K
        wout[pl.ds(out_off, _L)] = r1
        wout[pl.ds(out_off + _L, _L)] = r2
        iout[pl.ds(out_off, _L)] = v1
        iout[pl.ds(out_off + _L, _L)] = v2

    def batch_body(b, _):
        pltpu.sync_copy(h_hbm.at[pl.ds(row0 + b * _RB, _RB), :], hbuf)
        pltpu.sync_copy(
            t_hbm.at[pl.ds((row0 + b * _RB) * 2, _RB * 2)],
            tbuf.at[pl.ds(0, _RB * 2)])

        def rloop(r, _2):
            row_body(b * _RB + r)
            return 0

        lax.fori_loop(0, _RB, rloop, 0)
        return 0

    lax.fori_loop(0, nbatch, batch_body, 0)
    pltpu.sync_copy(wout, ow_hbm.at[pl.ds(row0 * _K, rpw * _K)])
    pltpu.sync_copy(iout, oi_hbm.at[pl.ds(row0 * _K, rpw * _K)])
  return _sc_body


def _sc_topk(h2d, t_flat, atab, btab, padv, ntok):
    rpw = ntok // _NW
    nbatch = rpw // _RB
    mesh = plsc.VectorSubcoreMesh(core_axis_name="c", subcore_axis_name="s",
                                  num_cores=_NC, num_subcores=_NS)
    f = pl.kernel(
        _make_sc_body(rpw, nbatch),
        out_type=(
            jax.ShapeDtypeStruct((ntok * _K,), jnp.float32),
            jax.ShapeDtypeStruct((ntok * _K,), jnp.int32),
        ),
        mesh=mesh,
        compiler_params=pltpu.CompilerParams(needs_layout_passes=False),
        scratch_types=[
            pltpu.VMEM((_RB, 2 * _PAD), jnp.float32),
            pltpu.VMEM((_RB * 2 + _L,), jnp.float32),
            pltpu.VMEM((_PAD + 2 * _L,), jnp.int32),
            pltpu.VMEM((_PAD + 2 * _L,), jnp.int32),
            pltpu.VMEM((4 * _L,), jnp.float32),
            pltpu.VMEM((4 * _L,), jnp.int32),
            pltpu.VMEM((_NCAND,), jnp.int32),
            pltpu.VMEM((_NCAND,), jnp.int32),
            pltpu.VMEM((_NCAND,), jnp.float32),
            pltpu.VMEM((rpw * _K,), jnp.float32),
            pltpu.VMEM((rpw * _K,), jnp.int32),
        ],
    )
    return f(h2d, t_flat, atab, btab, padv)


def _sc_tables():
    import numpy as np
    at = np.zeros((_NCAND,), np.int32)
    bt = np.zeros((_NCAND,), np.int32)
    pv = np.full((_NCAND,), _DEAD, np.float32)
    for j, (a, b) in enumerate(_AB):
        at[j] = a
        bt[j] = b + _K
        pv[j] = 0.0
    return jnp.asarray(at), jnp.asarray(bt), jnp.asarray(pv)


def kernel(x, W, b_lin, bias, k):
    del bias
    npad = _PAD - _PKM
    zrows = jnp.zeros((npad, _D_IN), W.dtype)
    wpt = jnp.concatenate([W[:_PKM], zrows, W[_PKM:], zrows], axis=0).T
    negs = jnp.full((npad,), _NEG_PAD, jnp.float32)
    bp = jnp.concatenate(
        [b_lin[:_PKM], negs, b_lin[_PKM:], negs]).reshape(1, 2 * _PAD)
    atab, btab, padv = _sc_tables()
    ws, is_ = [], []
    nchunk = _N_TOK // _NSPLIT
    for c in range(_NSPLIT):
        xc = x[c * nchunk:(c + 1) * nchunk]
        h, tt = _matmul(xc, wpt, bp)
        w_flat, i_flat = _sc_topk(h, tt.reshape(-1),
                                  atab, btab, padv, nchunk)
        ws.append(w_flat.reshape(nchunk, _K))
        is_.append(i_flat.reshape(nchunk, _K))
    w = jnp.concatenate(ws, axis=0)
    i = jnp.concatenate(is_, axis=0)
    keep = jnp.asarray(k) == _K
    w = jnp.where(keep, w, jnp.zeros_like(w))
    i = jnp.where(keep, i, jnp.zeros_like(i))
    return w, i

# --- scband reference (transcript-rebuilt; emitter-appended) ---
"""Pipeline reference for scband-pkmlinear-27874337751162 (READ-ONLY COPY).

The authoritative reference and input builder live on the scoring server;
editing this copy changes nothing except your own understanding.
"""

import jax, jax.numpy as jnp
import numpy as np

D_IN = 2048
NUM_LATENTS = 1000000
PKM_BASE = 1000
HEADS = 1
N_TOK = 8192

K_STATIC = 32


def _pkm_topk(x, W, b_lin, bias, k):
    orig_batch = x.shape[:-1]
    k_head = max(1, K_STATIC // HEADS)
    # linear encoder: Linear(d_in, heads*2*pkm_base)
    h = jnp.dot(x, W.T) + b_lin
    h = h.reshape(orig_batch + (HEADS, 2 * PKM_BASE))
    x1 = h[..., :PKM_BASE]
    x2 = h[..., PKM_BASE:]
    w1, i1 = jax.lax.top_k(x1, k_head)
    w2, i2 = jax.lax.top_k(x2, k_head)
    w = jax.nn.relu(w1[..., :, None] + w2[..., None, :])
    i = i1[..., :, None] * PKM_BASE + i2[..., None, :]
    mask = i >= NUM_LATENTS
    head_off = jnp.arange(HEADS, dtype=i.dtype)[:, None, None] * (PKM_BASE ** 2)
    bias_i = i + head_off
    # per-latent learned bias, only added where masked (faithful to torch code)
    w = w + bias[bias_i] * mask.astype(w.dtype)
    w = jnp.where(mask, -1.0, w)
    w = w.reshape(-1, HEADS, k_head * k_head)
    w, idx = jax.lax.top_k(w, k_head)
    i1f = i1.reshape(-1, HEADS, k_head)
    i2f = i2.reshape(-1, HEADS, k_head)
    i1g = jnp.take_along_axis(i1f, idx // k_head, axis=-1)
    i2g = jnp.take_along_axis(i2f, idx % k_head, axis=-1)
    i = i1g * PKM_BASE + i2g
    w = w * (i < NUM_LATENTS).astype(w.dtype)
    i = jnp.minimum(i, NUM_LATENTS - 1)
    # non-softmax path
    w = w[..., :k_head].reshape(w.shape[0], HEADS * k_head)
    i = i[..., :k_head].reshape(i.shape[0], HEADS * k_head)
    w_s, i_s = jax.lax.top_k(w, K_STATIC)
    w = jnp.take_along_axis(w, i_s, axis=-1)
    i = jnp.take_along_axis(i, i_s, axis=-1)
    k_arr = jnp.asarray(k)
    w = jnp.where(k_arr == K_STATIC, w, jnp.zeros_like(w))
    i = jnp.where(k_arr == K_STATIC, i, jnp.zeros_like(i))
    return w.reshape(orig_batch + (K_STATIC,)), i.reshape(orig_batch + (K_STATIC,))


def setup_inputs(seed: int = 0):
    key = jax.random.key(seed)
    k1, k2, k3 = jax.random.split(key, 3)
    x = jax.random.normal(k1, (N_TOK, D_IN), dtype=jnp.float32)
    # nn.Linear default init scaled by init_scale/4
    W = jax.random.normal(k2, (HEADS * 2 * PKM_BASE, D_IN), dtype=jnp.float32) * (0.25 / np.sqrt(D_IN))
    b_lin = jnp.zeros((HEADS * 2 * PKM_BASE,), dtype=jnp.float32)
    bias = jax.random.normal(k3, (HEADS * PKM_BASE ** 2,), dtype=jnp.float32) * 0.02
    return {"x": x, "W": W, "b_lin": b_lin, "bias": bias, "k": 32}


def reference(x, W, b_lin, bias, k):
    return _pkm_topk(x, W, b_lin, bias, k)

if __name__ == "__main__":
    import jax
    _d = setup_inputs()
    print(jax.jit(kernel)(*tuple(_d.values())))

</pallas_src>

<mosaic_0001>
#map = affine_map<(d0, d1) -> (0, 0)>
#map1 = affine_map<(d0, d1) -> (0)>
module attributes {stable_mosaic.version = 14 : i64} {
  func.func @_sc_body(%arg0: i32, %arg1: i32, %arg2: memref<8192x2048xf32, #tpu.memory_space<hbm>>, %arg3: memref<16384xf32, #tpu.memory_space<hbm>>, %arg4: memref<128xi32, #tpu.memory_space<hbm>>, %arg5: memref<128xi32, #tpu.memory_space<hbm>>, %arg6: memref<128xf32, #tpu.memory_space<hbm>>, %arg7: memref<262144xf32, #tpu.memory_space<hbm>>, %arg8: memref<262144xi32, #tpu.memory_space<hbm>>, %arg9: memref<32x2048xf32, #tpu.memory_space<vmem>>, %arg10: memref<80xf32, #tpu.memory_space<vmem>>, %arg11: memref<1056xi32, #tpu.memory_space<vmem>>, %arg12: memref<1056xi32, #tpu.memory_space<vmem>>, %arg13: memref<64xf32, #tpu.memory_space<vmem>>, %arg14: memref<64xi32, #tpu.memory_space<vmem>>, %arg15: memref<128xi32, #tpu.memory_space<vmem>>, %arg16: memref<128xi32, #tpu.memory_space<vmem>>, %arg17: memref<128xf32, #tpu.memory_space<vmem>>, %arg18: memref<8192xf32, #tpu.memory_space<vmem>>, %arg19: memref<8192xi32, #tpu.memory_space<vmem>>) attributes {dimension_semantics = [#tpu.dimension_semantics<core_parallel>, #tpu.dimension_semantics<subcore_parallel>], iteration_bounds = array<i64: 2, 16>, scalar_prefetch = 0 : i64, scratch_operands = 11 : i64, tpu.core_type = #tpu.core_type<sc_vector_subcore>, window_params = [{transform_indices = #map}, {transform_indices = #map1}, {transform_indices = #map1}, {transform_indices = #map1}, {transform_indices = #map1}, {transform_indices = #map1}, {transform_indices = #map1}]} {
    %mul3A = arith.constant 2 : i32
    %mul3A_0 = arith.muli %arg1, %mul3A : i32
    %add3A = arith.addi %mul3A_0, %arg0 : i32
    %mul3A_1 = arith.constant 256 : i32
    %mul3A_2 = arith.muli %add3A, %mul3A_1 : i32
    "tpu.region"() ({
      %run_scoped3A = tpu.sem_alloc : memref<!tpu.dma_semaphore, #tpu.memory_space<semaphore_mem>>
      tpu.enqueue_dma source(%arg4 : memref<128xi32, #tpu.memory_space<hbm>>) target(%arg15 : memref<128xi32, #tpu.memory_space<vmem>>) target_semaphore(%run_scoped3A : memref<!tpu.dma_semaphore, #tpu.memory_space<semaphore_mem>>)
      tpu.wait_dma2 semaphore(%run_scoped3A : memref<!tpu.dma_semaphore, #tpu.memory_space<semaphore_mem>>) src(%arg4 : memref<128xi32, #tpu.memory_space<hbm>>) dst(%arg15 : memref<128xi32, #tpu.memory_space<vmem>>)
      tpu.yield
    }) : () -> ()
    "tpu.region"() ({
      %run_scoped3A = tpu.sem_alloc : memref<!tpu.dma_semaphore, #tpu.memory_space<semaphore_mem>>
      tpu.enqueue_dma source(%arg5 : memref<128xi32, #tpu.memory_space<hbm>>) target(%arg16 : memref<128xi32, #tpu.memory_space<vmem>>) target_semaphore(%run_scoped3A : memref<!tpu.dma_semaphore, #tpu.memory_space<semaphore_mem>>)
      tpu.wait_dma2 semaphore(%run_scoped3A : memref<!tpu.dma_semaphore, #tpu.memory_space<semaphore_mem>>) src(%arg5 : memref<128xi32, #tpu.memory_space<hbm>>) dst(%arg16 : memref<128xi32, #tpu.memory_space<vmem>>)
      tpu.yield
    }) : () -> ()
    "tpu.region"() ({
      %run_scoped3A = tpu.sem_alloc : memref<!tpu.dma_semaphore, #tpu.memory_space<semaphore_mem>>
      tpu.enqueue_dma source(%arg6 : memref<128xf32, #tpu.memory_space<hbm>>) target(%arg17 : memref<128xf32, #tpu.memory_space<vmem>>) target_semaphore(%run_scoped3A : memref<!tpu.dma_semaphore, #tpu.memory_space<semaphore_mem>>)
      tpu.wait_dma2 semaphore(%run_scoped3A : memref<!tpu.dma_semaphore, #tpu.memory_space<semaphore_mem>>) src(%arg6 : memref<128xf32, #tpu.memory_space<hbm>>) dst(%arg17 : memref<128xf32, #tpu.memory_space<vmem>>)
      tpu.yield
    }) : () -> ()
    %iota3A = tpu.iota {dimensions = array<i32: 0>} : vector<16xi32>
    %broadcast_in_dim3A = arith.constant -3.000000e+38 : f32
    %broadcast_in_dim3A_3 = vector.broadcast %broadcast_in_dim3A : f32 to vector<16xf32>
    %broadcast_in_dim3A_4 = arith.constant 1073741824 : i32
    %broadcast_in_dim3A_5 = vector.broadcast %broadcast_in_dim3A_4 : i32 to vector<16xi32>
    %scan3A = arith.constant 0 : i32
    %scan3A_6 = arith.constant 0 : i32
    %scan3A_7 = arith.constant 8 : i32
    %scan3A_8 = arith.addi %scan3A_6, %scan3A_7 : i32
    %scan3A_9 = arith.constant 1 : i32
    %scan3A_10 = scf.for %scan3A_16 = %scan3A_6 to %scan3A_8 step %scan3A_9 iter_args(%scan3A_17 = %scan3A) -> (i32)  : i32 {
      %mul3A_18 = arith.constant 32 : i32
      %mul3A_19 = arith.muli %scan3A_16, %mul3A_18 : i32
      %add3A_20 = arith.addi %mul3A_2, %mul3A_19 : i32
      "tpu.region"() ({
        %run_scoped3A = tpu.sem_alloc : memref<!tpu.dma_semaphore, #tpu.memory_space<semaphore_mem>>
        %dma_start3A = arith.constant 0 : i32
        %dma_start3A_34 = tpu.memref_slice %arg2[%add3A_20, %dma_start3A] : memref<8192x2048xf32, #tpu.memory_space<hbm>> -> memref<32x2048xf32, #tpu.memory_space<hbm>>
        %dma_start3A_35 = arith.constant 0 : i32
        %dma_start3A_36 = tpu.memref_slice %arg2[%add3A_20, %dma_start3A_35] : memref<8192x2048xf32, #tpu.memory_space<hbm>> -> memref<32x2048xf32, #tpu.memory_space<hbm>>
        tpu.enqueue_dma source(%dma_start3A_36 : memref<32x2048xf32, #tpu.memory_space<hbm>>) target(%arg9 : memref<32x2048xf32, #tpu.memory_space<vmem>>) target_semaphore(%run_scoped3A : memref<!tpu.dma_semaphore, #tpu.memory_space<semaphore_mem>>)
        %dma_wait3A = arith.constant 0 : i32
        %dma_wait3A_37 = tpu.memref_slice %arg2[%add3A_20, %dma_wait3A] : memref<8192x2048xf32, #tpu.memory_space<hbm>> -> memref<32x2048xf32, #tpu.memory_space<hbm>>
        %dma_wait3A_38 = arith.constant 0 : i32
        %dma_wait3A_39 = tpu.memref_slice %arg2[%add3A_20, %dma_wait3A_38] : memref<8192x2048xf32, #tpu.memory_space<hbm>> -> memref<32x2048xf32, #tpu.memory_space<hbm>>
        tpu.wait_dma2 semaphore(%run_scoped3A : memref<!tpu.dma_semaphore, #tpu.memory_space<semaphore_mem>>) src(%dma_wait3A_39 : memref<32x2048xf32, #tpu.memory_space<hbm>>) dst(%arg9 : memref<32x2048xf32, #tpu.memory_space<vmem>>)
        tpu.yield
      }) : () -> ()
      %mul3A_21 = arith.constant 32 : i32
      %mul3A_22 = arith.muli %scan3A_16, %mul3A_21 : i32
      %add3A_23 = arith.addi %mul3A_2, %mul3A_22 : i32
      %mul3A_24 = arith.constant 2 : i32
      %mul3A_25 = arith.muli %add3A_23, %mul3A_24 : i32
      "tpu.region"() ({
        %run_scoped3A = tpu.sem_alloc : memref<!tpu.dma_semaphore, #tpu.memory_space<semaphore_mem>>
        %dma_start3A = arith.constant 0 : i32
        %dma_start3A_34 = tpu.memref_slice %arg10[%dma_start3A] : memref<80xf32, #tpu.memory_space<vmem>> -> memref<64xf32, #tpu.memory_space<vmem>>
        %dma_start3A_35 = tpu.memref_slice %arg3[%mul3A_25] : memref<16384xf32, #tpu.memory_space<hbm>> -> memref<64xf32, #tpu.memory_space<hbm>>
        %dma_start3A_36 = arith.constant 0 : i32
        %dma_start3A_37 = tpu.memref_slice %arg10[%dma_start3A_36] : memref<80xf32, #tpu.memory_space<vmem>> -> memref<64xf32, #tpu.memory_space<vmem>>
        %dma_start3A_38 = tpu.memref_slice %arg3[%mul3A_25] : memref<16384xf32, #tpu.memory_space<hbm>> -> memref<64xf32, #tpu.memory_space<hbm>>
        tpu.enqueue_dma source(%dma_start3A_38 : memref<64xf32, #tpu.memory_space<hbm>>) target(%dma_start3A_37 : memref<64xf32, #tpu.memory_space<vmem>>) target_semaphore(%run_scoped3A : memref<!tpu.dma_semaphore, #tpu.memory_space<semaphore_mem>>)
        %dma_wait3A = arith.constant 0 : i32
        %dma_wait3A_39 = tpu.memref_slice %arg10[%dma_wait3A] : memref<80xf32, #tpu.memory_space<vmem>> -> memref<64xf32, #tpu.memory_space<vmem>>
        %dma_wait3A_40 = tpu.memref_slice %arg3[%mul3A_25] : memref<16384xf32, #tpu.memory_space<hbm>> -> memref<64xf32, #tpu.memory_space<hbm>>
        %dma_wait3A_41 = arith.constant 0 : i32
        %dma_wait3A_42 = tpu.memref_slice %arg10[%dma_wait3A_41] : memref<80xf32, #tpu.memory_space<vmem>> -> memref<64xf32, #tpu.memory_space<vmem>>
        %dma_wait3A_43 = tpu.memref_slice %arg3[%mul3A_25] : memref<16384xf32, #tpu.memory_space<hbm>> -> memref<64xf32, #tpu.memory_space<hbm>>
        tpu.wait_dma2 semaphore(%run_scoped3A : memref<!tpu.dma_semaphore, #tpu.memory_space<semaphore_mem>>) src(%dma_wait3A_43 : memref<64xf32, #tpu.memory_space<hbm>>) dst(%dma_wait3A_42 : memref<64xf32, #tpu.memory_space<vmem>>)
        tpu.yield
      }) : () -> ()
      %scan3A_26 = arith.constant 0 : i32
      %scan3A_27 = arith.constant 0 : i32
      %scan3A_28 = arith.constant 32 : i32
      %scan3A_29 = arith.addi %scan3A_27, %scan3A_28 : i32
      %scan3A_30 = arith.constant 1 : i32
      %scan3A_31 = scf.for %scan3A_34 = %scan3A_27 to %scan3A_29 step %scan3A_30 iter_args(%scan3A_35 = %scan3A_26) -> (i32)  : i32 {
        %mul3A_36 = arith.constant 32 : i32
        %mul3A_37 = arith.muli %scan3A_16, %mul3A_36 : i32
        %add3A_38 = arith.addi %mul3A_37, %scan3A_34 : i32
        %jit3A = arith.constant 32 : i32
        %eq3A = arith.constant 0 : i32
        %eq3A_39 = arith.cmpi eq, %jit3A, %eq3A : i32
        %jit3A_40 = arith.constant 1 : i32
        %select_n3A = arith.select %eq3A_39, %jit3A_40, %jit3A : i32
        %rem3A = arith.remsi %add3A_38, %select_n3A : i32
        %ne3A = arith.constant 0 : i32
        %ne3A_41 = arith.cmpi ne, %rem3A, %ne3A : i32
        %lt3A = arith.constant 0 : i32
        %lt3A_42 = arith.cmpi slt, %rem3A, %lt3A : i32
        %lt3A_43 = arith.constant 0 : i32
        %lt3A_44 = arith.cmpi slt, %select_n3A, %lt3A_43 : i32
        %ne3A_45 = arith.xori %lt3A_42, %lt3A_44 : i1
        %and3A = arith.andi %ne3A_45, %ne3A_41 : i1
        %add3A_46 = arith.addi %rem3A, %select_n3A : i32
        %select_n3A_47 = arith.select %and3A, %add3A_46, %rem3A : i32
        %mul3A_48 = arith.constant 2 : i32
        %mul3A_49 = arith.muli %mul3A_48, %select_n3A_47 : i32
        %get3A = arith.index_cast %mul3A_49 : i32 to index
        %get3A_50 = tpu.vector_load %arg10[%get3A] {strides = array<i32>} : memref<80xf32, #tpu.memory_space<vmem>>, vector<16xf32>,
        %slice3A = vector.extract_strided_slice %get3A_50 {offsets = [0], sizes = [1], strides = [1]} : vector<16xf32> to vector<1xf32>
        %squeeze3A = vector.extract %slice3A[0] : f32 from vector<1xf32>
        %slice3A_51 = vector.extract_strided_slice %get3A_50 {offsets = [1], sizes = [1], strides = [1]} : vector<16xf32> to vector<1xf32>
        %squeeze3A_52 = vector.extract %slice3A_51[0] : f32 from vector<1xf32>
        %scan3A_53 = arith.constant 0 : i32
        %scan3A_54 = arith.constant 0 : i32
        %scan3A_55 = arith.constant 0 : i32
        %scan3A_56 = arith.constant 16 : i32
        %scan3A_57 = arith.addi %scan3A_55, %scan3A_56 : i32
        %scan3A_58 = arith.constant 1 : i32
        %scan3A_59:2 = scf.for %scan3A_573 = %scan3A_55 to %scan3A_57 step %scan3A_58 iter_args(%scan3A_574 = %scan3A_53, %scan3A_575 = %scan3A_54) -> (i32, i32)  : i32 {
          %mul3A_576 = arith.constant 64 : i32
          %mul3A_577 = arith.muli %mul3A_576, %scan3A_573 : i32
          %add3A_578 = arith.constant 0 : i32
          %add3A_579 = arith.addi %mul3A_577, %add3A_578 : i32
          %add3A_580 = arith.constant 1024 : i32
          %add3A_581 = arith.addi %add3A_579, %add3A_580 : i32
          %get3A_582 = arith.index_cast %select_n3A_47 : i32 to index
          %get3A_583 = arith.index_cast %add3A_579 : i32 to index
          %get3A_584 = tpu.vector_load %arg9[%get3A_582, %get3A_583] {strides = array<i32>} : memref<32x2048xf32, #tpu.memory_space<vmem>>, vector<16xf32>,
          %add3A_585 = arith.constant 16 : i32
          %add3A_586 = arith.addi %add3A_579, %add3A_585 : i32
          %get3A_587 = arith.index_cast %select_n3A_47 : i32 to index
          %get3A_588 = arith.index_cast %add3A_586 : i32 to index
          %get3A_589 = tpu.vector_load %arg9[%get3A_587, %get3A_588] {strides = array<i32>} : memref<32x2048xf32, #tpu.memory_space<vmem>>, vector<16xf32>,
          %get3A_590 = arith.index_cast %select_n3A_47 : i32 to index
          %get3A_591 = arith.index_cast %add3A_581 : i32 to index
          %get3A_592 = tpu.vector_load %arg9[%get3A_590, %get3A_591] {strides = array<i32>} : memref<32x2048xf32, #tpu.memory_space<vmem>>, vector<16xf32>,
          %add3A_593 = arith.constant 16 : i32
          %add3A_594 = arith.addi %add3A_581, %add3A_593 : i32
          %get3A_595 = arith.index_cast %select_n3A_47 : i32 to index
          %get3A_596 = arith.index_cast %add3A_594 : i32 to index
          %get3A_597 = tpu.vector_load %arg9[%get3A_595, %get3A_596] {strides = array<i32>} : memref<32x2048xf32, #tpu.memory_space<vmem>>, vector<16xf32>,
          %ge3A_598 = vector.broadcast %squeeze3A : f32 to vector<16xf32>
          %ge3A_599 = arith.cmpf oge, %get3A_584, %ge3A_598 : vector<16xf32>
          %ge3A_600 = vector.broadcast %squeeze3A : f32 to vector<16xf32>
          %ge3A_601 = arith.cmpf oge, %get3A_589, %ge3A_600 : vector<16xf32>
          %ge3A_602 = vector.broadcast %squeeze3A_52 : f32 to vector<16xf32>
          %ge3A_603 = arith.cmpf oge, %get3A_592, %ge3A_602 : vector<16xf32>
          %ge3A_604 = vector.broadcast %squeeze3A_52 : f32 to vector<16xf32>
          %ge3A_605 = arith.cmpf oge, %get3A_597, %ge3A_604 : vector<16xf32>
          %add3A_606 = vector.broadcast %add3A_579 : i32 to vector<16xi32>
          %add3A_607 = arith.addi %iota3A, %add3A_606 : vector<16xi32>
          %swap3A_608 = arith.index_cast %scan3A_574 : i32 to index
          %swap3A_609 = tpu.vector_load %arg11[%swap3A_608] masked %ge3A_599 {strides = array<i32>} : memref<1056xi32, #tpu.memory_space<vmem>>, vector<16xi32>, vector<16xi1>
          tpu.vector_store %arg11[%swap3A_608], %add3A_607 masked %ge3A_599 {strides = array<i32>} : memref<1056xi32, #tpu.memory_space<vmem>>, vector<16xi32>, vector<16xi1>
          %swap3A_610 = arith.index_cast %scan3A_575 : i32 to index
          %swap3A_611 = tpu.vector_load %arg12[%swap3A_610] masked %ge3A_603 {strides = array<i32>} : memref<1056xi32, #tpu.memory_space<vmem>>, vector<16xi32>, vector<16xi1>
          tpu.vector_store %arg12[%swap3A_610], %add3A_607 masked %ge3A_603 {strides = array<i32>} : memref<1056xi32, #tpu.memory_space<vmem>>, vector<16xi32>, vector<16xi1>
          %all_reduce_population_count3A = tpu.all_reduce %ge3A_599 {dim = 0 : i64, kind = #tpu.reduction_kind<sum>} : vector<16xi1> -> vector<16xi32>
          %slice3A_612 = vector.extract_strided_slice %all_reduce_population_count3A {offsets = [0], sizes = [1], strides = [1]} : vector<16xi32> to vector<1xi32>
          %squeeze3A_613 = vector.extract %slice3A_612[0] : i32 from vector<1xi32>
          %add3A_614 = arith.addi %scan3A_574, %squeeze3A_613 : i32
          %all_reduce_population_count3A_615 = tpu.all_reduce %ge3A_603 {dim = 0 : i64, kind = #tpu.reduction_kind<sum>} : vector<16xi1> -> vector<16xi32>
          %slice3A_616 = vector.extract_strided_slice %all_reduce_population_count3A_615 {offsets = [0], sizes = [1], strides = [1]} : vector<16xi32> to vector<1xi32>
          %squeeze3A_617 = vector.extract %slice3A_616[0] : i32 from vector<1xi32>
          %add3A_618 = arith.addi %scan3A_575, %squeeze3A_617 : i32
          %add3A_619 = arith.constant 16 : i32
          %add3A_620 = vector.broadcast %add3A_619 : i32 to vector<16xi32>
          %add3A_621 = arith.addi %add3A_607, %add3A_620 : vector<16xi32>
          %swap3A_622 = arith.index_cast %add3A_614 : i32 to index
          %swap3A_623 = tpu.vector_load %arg11[%swap3A_622] masked %ge3A_601 {strides = array<i32>} : memref<1056xi32, #tpu.memory_space<vmem>>, vector<16xi32>, vector<16xi1>
          tpu.vector_store %arg11[%swap3A_622], %add3A_621 masked %ge3A_601 {strides = array<i32>} : memref<1056xi32, #tpu.memory_space<vmem>>, vector<16xi32>, vector<16xi1>
          %add3A_624 = arith.constant 16 : i32
          %add3A_625 = vector.broadcast %add3A_624 : i32 to vector<16xi32>
          %add3A_626 = arith.addi %add3A_607, %add3A_625 : vector<16xi32>
          %swap3A_627 = arith.index_cast %add3A_618 : i32 to index
          %swap3A_628 = tpu.vector_load %arg12[%swap3A_627] masked %ge3A_605 {strides = array<i32>} : memref<1056xi32, #tpu.memory_space<vmem>>, vector<16xi32>, vector<16xi1>
          tpu.vector_store %arg12[%swap3A_627], %add3A_626 masked %ge3A_605 {strides = array<i32>} : memref<1056xi32, #tpu.memory_space<vmem>>, vector<16xi32>, vector<16xi1>
          %all_reduce_population_count3A_629 = tpu.all_reduce %ge3A_601 {dim = 0 : i64, kind = #tpu.reduction_kind<sum>} : vector<16xi1> -> vector<16xi32>
          %slice3A_630 = vector.extract_strided_slice %all_reduce_population_count3A_629 {offsets = [0], sizes = [1], strides = [1]} : vector<16xi32> to vector<1xi32>
          %squeeze3A_631 = vector.extract %slice3A_630[0] : i32 from vector<1xi32>
          %add3A_632 = arith.addi %add3A_614, %squeeze3A_631 : i32
          %all_reduce_population_count3A_633 = tpu.all_reduce %ge3A_605 {dim = 0 : i64, kind = #tpu.reduction_kind<sum>} : vector<16xi1> -> vector<16xi32>
          %slice3A_634 = vector.extract_strided_slice %all_reduce_population_count3A_633 {offsets = [0], sizes = [1], strides = [1]} : vector<16xi32> to vector<1xi32>
          %squeeze3A_635 = vector.extract %slice3A_634[0] : i32 from vector<1xi32>
          %add3A_636 = arith.addi %add3A_618, %squeeze3A_635 : i32
          %mul3A_637 = arith.constant 64 : i32
          %mul3A_638 = arith.muli %mul3A_637, %scan3A_573 : i32
          %add3A_639 = arith.constant 32 : i32
          %add3A_640 = arith.addi %mul3A_638, %add3A_639 : i32
          %add3A_641 = arith.constant 1024 : i32
          %add3A_642 = arith.addi %add3A_640, %add3A_641 : i32
          %get3A_643 = arith.index_cast %select_n3A_47 : i32 to index
          %get3A_644 = arith.index_cast %add3A_640 : i32 to index
          %get3A_645 = tpu.vector_load %arg9[%get3A_643, %get3A_644] {strides = array<i32>} : memref<32x2048xf32, #tpu.memory_space<vmem>>, vector<16xf32>,
          %add3A_646 = arith.constant 16 : i32
          %add3A_647 = arith.addi %add3A_640, %add3A_646 : i32
          %get3A_648 = arith.index_cast %select_n3A_47 : i32 to index
          %get3A_649 = arith.index_cast %add3A_647 : i32 to index
          %get3A_650 = tpu.vector_load %arg9[%get3A_648, %get3A_649] {strides = array<i32>} : memref<32x2048xf32, #tpu.memory_space<vmem>>, vector<16xf32>,
          %get3A_651 = arith.index_cast %select_n3A_47 : i32 to index
          %get3A_652 = arith.index_cast %add3A_642 : i32 to index
          %get3A_653 = tpu.vector_load %arg9[%get3A_651, %get3A_652] {strides = array<i32>} : memref<32x2048xf32, #tpu.memory_space<vmem>>, vector<16xf32>,
          %add3A_654 = arith.constant 16 : i32
          %add3A_655 = arith.addi %add3A_642, %add3A_654 : i32
          %get3A_656 = arith.index_cast %select_n3A_47 : i32 to index
          %get3A_657 = arith.index_cast %add3A_655 : i32 to index
          %get3A_658 = tpu.vector_load %arg9[%get3A_656, %get3A_657] {strides = array<i32>} : memref<32x2048xf32, #tpu.memory_space<vmem>>, vector<16xf32>,
          %ge3A_659 = vector.broadcast %squeeze3A : f32 to vector<16xf32>
          %ge3A_660 = arith.cmpf oge, %get3A_645, %ge3A_659 : vector<16xf32>
          %ge3A_661 = vector.broadcast %squeeze3A : f32 to vector<16xf32>
          %ge3A_662 = arith.cmpf oge, %get3A_650, %ge3A_661 : vector<16xf32>
          %ge3A_663 = vector.broadcast %squeeze3A_52 : f32 to vector<16xf32>
          %ge3A_664 = arith.cmpf oge, %get3A_653, %ge3A_663 : vector<16xf32>
          %ge3A_665 = vector.broadcast %squeeze3A_52 : f32 to vector<16xf32>
          %ge3A_666 = arith.cmpf oge, %get3A_658, %ge3A_665 : vector<16xf32>
          %add3A_667 = vector.broadcast %add3A_640 : i32 to vector<16xi32>
          %add3A_668 = arith.addi %iota3A, %add3A_667 : vector<16xi32>
          %swap3A_669 = arith.index_cast %add3A_632 : i32 to index
          %swap3A_670 = tpu.vector_load %arg11[%swap3A_669] masked %ge3A_660 {strides = array<i32>} : memref<1056xi32, #tpu.memory_space<vmem>>, vector<16xi32>, vector<16xi1>
          tpu.vector_store %arg11[%swap3A_669], %add3A_668 masked %ge3A_660 {strides = array<i32>} : memref<1056xi32, #tpu.memory_space<vmem>>, vector<16xi32>, vector<16xi1>
          %swap3A_671 = arith.index_cast %add3A_636 : i32 to index
          %swap3A_672 = tpu.vector_load %arg12[%swap3A_671] masked %ge3A_664 {strides = array<i32>} : memref<1056xi32, #tpu.memory_space<vmem>>, vector<16xi32>, vector<16xi1>
          tpu.vector_store %arg12[%swap3A_671], %add3A_668 masked %ge3A_664 {strides = array<i32>} : memref<1056xi32, #tpu.memory_space<vmem>>, vector<16xi32>, vector<16xi1>
          %all_reduce_population_count3A_673 = tpu.all_reduce %ge3A_660 {dim = 0 : i64, kind = #tpu.reduction_kind<sum>} : vector<16xi1> -> vector<16xi32>
          %slice3A_674 = vector.extract_strided_slice %all_reduce_population_count3A_673 {offsets = [0], sizes = [1], strides = [1]} : vector<16xi32> to vector<1xi32>
          %squeeze3A_675 = vector.extract %slice3A_674[0] : i32 from vector<1xi32>
          %add3A_676 = arith.addi %add3A_632, %squeeze3A_675 : i32
          %all_reduce_population_count3A_677 = tpu.all_reduce %ge3A_664 {dim = 0 : i64, kind = #tpu.reduction_kind<sum>} : vector<16xi1> -> vector<16xi32>
          %slice3A_678 = vector.extract_strided_slice %all_reduce_population_count3A_677 {offsets = [0], sizes = [1], strides = [1]} : vector<16xi32> to vector<1xi32>
          %squeeze3A_679 = vector.extract %slice3A_678[0] : i32 from vector<1xi32>
          %add3A_680 = arith.addi %add3A_636, %squeeze3A_679 : i32
          %add3A_681 = arith.constant 16 : i32
          %add3A_682 = vector.broadcast %add3A_681 : i32 to vector<16xi32>
          %add3A_683 = arith.addi %add3A_668, %add3A_682 : vector<16xi32>
          %swap3A_684 = arith.index_cast %add3A_676 : i32 to index
          %swap3A_685 = tpu.vector_load %arg11[%swap3A_684] masked %ge3A_662 {strides = array<i32>} : memref<1056xi32, #tpu.memory_space<vmem>>, vector<16xi32>, vector<16xi1>
          tpu.vector_store %arg11[%swap3A_684], %add3A_683 masked %ge3A_662 {strides = array<i32>} : memref<1056xi32, #tpu.memory_space<vmem>>, vector<16xi32>, vector<16xi1>
          %add3A_686 = arith.constant 16 : i32
          %add3A_687 = vector.broadcast %add3A_686 : i32 to vector<16xi32>
          %add3A_688 = arith.addi %add3A_668, %add3A_687 : vector<16xi32>
          %swap3A_689 = arith.index_cast %add3A_680 : i32 to index
          %swap3A_690 = tpu.vector_load %arg12[%swap3A_689] masked %ge3A_666 {strides = array<i32>} : memref<1056xi32, #tpu.memory_space<vmem>>, vector<16xi32>, vector<16xi1>
          tpu.vector_store %arg12[%swap3A_689], %add3A_688 masked %ge3A_666 {strides = array<i32>} : memref<1056xi32, #tpu.memory_space<vmem>>, vector<16xi32>, vector<16xi1>
          %all_reduce_population_count3A_691 = tpu.all_reduce %ge3A_662 {dim = 0 : i64, kind = #tpu.reduction_kind<sum>} : vector<16xi1> -> vector<16xi32>
          %slice3A_692 = vector.extract_strided_slice %all_reduce_population_count3A_691 {offsets = [0], sizes = [1], strides = [1]} : vector<16xi32> to vector<1xi32>
          %squeeze3A_693 = vector.extract %slice3A_692[0] : i32 from vector<1xi32>
          %add3A_694 = arith.addi %add3A_676, %squeeze3A_693 : i32
          %all_reduce_population_count3A_695 = tpu.all_reduce %ge3A_666 {dim = 0 : i64, kind = #tpu.reduction_kind<sum>} : vector<16xi1> -> vector<16xi32>
          %slice3A_696 = vector.extract_strided_slice %all_reduce_population_count3A_695 {offsets = [0], sizes = [1], strides = [1]} : vector<16xi32> to vector<1xi32>
          %squeeze3A_697 = vector.extract %slice3A_696[0] : i32 from vector<1xi32>
          %add3A_698 = arith.addi %add3A_680, %squeeze3A_697 : i32
          scf.yield %add3A_694, %add3A_698 : i32, i32
        }
        %scan3A_60 = arith.constant 16 : i32
        %broadcast_in_dim3A_61 = arith.constant 1023 : i32
        %broadcast_in_dim3A_62 = vector.broadcast %broadcast_in_dim3A_61 : i32 to vector<16xi32>
        %swap3A = arith.index_cast %scan3A_59#0 : i32 to index
        %swap3A_63 = tpu.vector_load %arg11[%swap3A] {strides = array<i32>} : memref<1056xi32, #tpu.memory_space<vmem>>, vector<16xi32>,
        tpu.vector_store %arg11[%swap3A], %broadcast_in_dim3A_62 {strides = array<i32>} : memref<1056xi32, #tpu.memory_space<vmem>>, vector<16xi32>,
        %add3A_64 = arith.constant 16 : i32
        %add3A_65 = arith.addi %scan3A_59#0, %add3A_64 : i32
        %swap3A_66 = arith.index_cast %add3A_65 : i32 to index
        %swap3A_67 = tpu.vector_load %arg11[%swap3A_66] {strides = array<i32>} : memref<1056xi32, #tpu.memory_space<vmem>>, vector<16xi32>,
        tpu.vector_store %arg11[%swap3A_66], %broadcast_in_dim3A_62 {strides = array<i32>} : memref<1056xi32, #tpu.memory_space<vmem>>, vector<16xi32>,
        %swap3A_68 = arith.index_cast %scan3A_59#1 : i32 to index
        %swap3A_69 = tpu.vector_load %arg12[%swap3A_68] {strides = array<i32>} : memref<1056xi32, #tpu.memory_space<vmem>>, vector<16xi32>,
        tpu.vector_store %arg12[%swap3A_68], %broadcast_in_dim3A_62 {strides = array<i32>} : memref<1056xi32, #tpu.memory_space<vmem>>, vector<16xi32>,
        %add3A_70 = arith.constant 16 : i32
        %add3A_71 = arith.addi %scan3A_59#1, %add3A_70 : i32
        %swap3A_72 = arith.index_cast %add3A_71 : i32 to index
        %swap3A_73 = tpu.vector_load %arg12[%swap3A_72] {strides = array<i32>} : memref<1056xi32, #tpu.memory_space<vmem>>, vector<16xi32>,
        tpu.vector_store %arg12[%swap3A_72], %broadcast_in_dim3A_62 {strides = array<i32>} : memref<1056xi32, #tpu.memory_space<vmem>>, vector<16xi32>,
        %add3A_74 = arith.constant 32 : i32
        %add3A_75 = arith.addi %scan3A_59#0, %add3A_74 : i32
        %sub3A = arith.constant 1 : i32
        %sub3A_76 = arith.subi %add3A_75, %sub3A : i32
        %jit3A_77 = arith.constant 32 : i32
        %div3A = arith.divsi %sub3A_76, %jit3A_77 : i32
        %sign3A = arith.constant 0 : i32
        %sign3A_78 = arith.cmpi sgt, %sub3A_76, %sign3A : i32
        %sign3A_79 = arith.extui %sign3A_78 : i1 to i32
        %sign3A_80 = arith.constant 0 : i32
        %sign3A_81 = arith.cmpi slt, %sub3A_76, %sign3A_80 : i32
        %sign3A_82 = arith.extui %sign3A_81 : i1 to i32
        %sign3A_83 = arith.subi %sign3A_79, %sign3A_82 : i32
        %sign3A_84 = arith.constant 0 : i32
        %sign3A_85 = arith.cmpi sgt, %jit3A_77, %sign3A_84 : i32
        %sign3A_86 = arith.extui %sign3A_85 : i1 to i32
        %sign3A_87 = arith.constant 0 : i32
        %sign3A_88 = arith.cmpi slt, %jit3A_77, %sign3A_87 : i32
        %sign3A_89 = arith.extui %sign3A_88 : i1 to i32
        %sign3A_90 = arith.subi %sign3A_86, %sign3A_89 : i32
        %ne3A_91 = arith.cmpi ne, %sign3A_83, %sign3A_90 : i32
        %rem3A_92 = arith.remsi %sub3A_76, %jit3A_77 : i32
        %ne3A_93 = arith.constant 0 : i32
        %ne3A_94 = arith.cmpi ne, %rem3A_92, %ne3A_93 : i32
        %and3A_95 = arith.andi %ne3A_91, %ne3A_94 : i1
        %sub3A_96 = arith.constant 1 : i32
        %sub3A_97 = arith.subi %div3A, %sub3A_96 : i32
        %select_n3A_98 = arith.select %and3A_95, %sub3A_97, %div3A : i32
        %add3A_99 = arith.constant 32 : i32
        %add3A_100 = arith.addi %scan3A_59#1, %add3A_99 : i32
        %sub3A_101 = arith.constant 1 : i32
        %sub3A_102 = arith.subi %add3A_100, %sub3A_101 : i32
        %jit3A_103 = arith.constant 32 : i32
        %div3A_104 = arith.divsi %sub3A_102, %jit3A_103 : i32
        %sign3A_105 = arith.constant 0 : i32
        %sign3A_106 = arith.cmpi sgt, %sub3A_102, %sign3A_105 : i32
        %sign3A_107 = arith.extui %sign3A_106 : i1 to i32
        %sign3A_108 = arith.constant 0 : i32
        %sign3A_109 = arith.cmpi slt, %sub3A_102, %sign3A_108 : i32
        %sign3A_110 = arith.extui %sign3A_109 : i1 to i32
        %sign3A_111 = arith.subi %sign3A_107, %sign3A_110 : i32
        %sign3A_112 = arith.constant 0 : i32
        %sign3A_113 = arith.cmpi sgt, %jit3A_103, %sign3A_112 : i32
        %sign3A_114 = arith.extui %sign3A_113 : i1 to i32
        %sign3A_115 = arith.constant 0 : i32
        %sign3A_116 = arith.cmpi slt, %jit3A_103, %sign3A_115 : i32
        %sign3A_117 = arith.extui %sign3A_116 : i1 to i32
        %sign3A_118 = arith.subi %sign3A_114, %sign3A_117 : i32
        %ne3A_119 = arith.cmpi ne, %sign3A_111, %sign3A_118 : i32
        %rem3A_120 = arith.remsi %sub3A_102, %jit3A_103 : i32
        %ne3A_121 = arith.constant 0 : i32
        %ne3A_122 = arith.cmpi ne, %rem3A_120, %ne3A_121 : i32
        %and3A_123 = arith.andi %ne3A_119, %ne3A_122 : i1
        %sub3A_124 = arith.constant 1 : i32
        %sub3A_125 = arith.subi %div3A_104, %sub3A_124 : i32
        %select_n3A_126 = arith.select %and3A_123, %sub3A_125, %div3A_104 : i32
        %max3A = arith.maxsi %select_n3A_98, %select_n3A_126 : i32
        %broadcast_in_dim3A_127 = arith.constant 0 : i32
        %broadcast_in_dim3A_128 = vector.broadcast %broadcast_in_dim3A_127 : i32 to vector<16xi32>
        %add3A_129 = vector.broadcast %select_n3A_47 : i32 to vector<16xi32>
        %add3A_130 = arith.addi %broadcast_in_dim3A_128, %add3A_129 : vector<16xi32>
        %while3A = arith.constant 0 : i32
        %while3A_131 = arith.subi %max3A, %while3A : i32
        %while3A_132 = arith.addi %while3A, %while3A_131 : i32
        %while3A_133 = arith.constant 1 : i32
        %while3A_134 = arith.divsi %while3A_131, %while3A_133 : i32
        %while3A_135 = arith.muli %while3A_134, %while3A_133 : i32
        %while3A_136 = arith.addi %while3A, %while3A_135 : i32
        %while3A_137 = arith.constant 1 : i32
        %while3A_138:8 = scf.for %while3A_573 = %while3A to %while3A_136 step %while3A_137 iter_args(%while3A_574 = %broadcast_in_dim3A_3, %while3A_575 = %broadcast_in_dim3A_5, %while3A_576 = %broadcast_in_dim3A_3, %while3A_577 = %broadcast_in_dim3A_5, %while3A_578 = %broadcast_in_dim3A_3, %while3A_579 = %broadcast_in_dim3A_5, %while3A_580 = %broadcast_in_dim3A_3, %while3A_581 = %broadcast_in_dim3A_5) -> (vector<16xf32>, vector<16xi32>, vector<16xf32>, vector<16xi32>, vector<16xf32>, vector<16xi32>, vector<16xf32>, vector<16xi32>)  : i32 {
          %mul3A_582 = arith.constant 32 : i32
          %mul3A_583 = arith.muli %mul3A_582, %while3A_573 : i32
          %get3A_584 = arith.index_cast %mul3A_583 : i32 to index
          %get3A_585 = tpu.vector_load %arg11[%get3A_584] {strides = array<i32>} : memref<1056xi32, #tpu.memory_space<vmem>>, vector<16xi32>,
          %and3A_586 = arith.constant 1023 : i32
          %and3A_587 = vector.broadcast %and3A_586 : i32 to vector<16xi32>
          %and3A_588 = arith.andi %get3A_585, %and3A_587 : vector<16xi32>
          %add3A_589 = arith.constant 16 : i32
          %add3A_590 = arith.addi %mul3A_583, %add3A_589 : i32
          %get3A_591 = arith.index_cast %add3A_590 : i32 to index
          %get3A_592 = tpu.vector_load %arg11[%get3A_591] {strides = array<i32>} : memref<1056xi32, #tpu.memory_space<vmem>>, vector<16xi32>,
          %and3A_593 = arith.constant 1023 : i32
          %and3A_594 = vector.broadcast %and3A_593 : i32 to vector<16xi32>
          %and3A_595 = arith.andi %get3A_592, %and3A_594 : vector<16xi32>
          %add3A_596 = arith.constant 0 : i32
          %add3A_597 = vector.broadcast %add3A_596 : i32 to vector<16xi32>
          %add3A_598 = arith.addi %and3A_588, %add3A_597 : vector<16xi32>
          %gather3A_599 = tpu.vector_load_idx %arg9[%add3A_130, %add3A_598] : memref<32x2048xf32, #tpu.memory_space<vmem>>[vector<16xi32>, vector<16xi32>], vector<16xf32>,
          %add3A_600 = arith.constant 0 : i32
          %add3A_601 = vector.broadcast %add3A_600 : i32 to vector<16xi32>
          %add3A_602 = arith.addi %and3A_595, %add3A_601 : vector<16xi32>
          %gather3A_603 = tpu.vector_load_idx %arg9[%add3A_130, %add3A_602] : memref<32x2048xf32, #tpu.memory_space<vmem>>[vector<16xi32>, vector<16xi32>], vector<16xf32>,
          %masked_sort3A_604 = arith.constant dense<true> : vector<16xi1>
          %masked_sort3A_605, %masked_sort3A_606, %masked_sort3A_607 = tpu.sort %gather3A_599, %and3A_588 masked %masked_sort3A_604 {descending = true} : (vector<16xf32>, vector<16xi32>, vector<16xi1>) -> (vector<16xi1>, vector<16xf32>, vector<16xi32>)
          %masked_sort3A_608 = arith.constant dense<true> : vector<16xi1>
          %masked_sort3A_609, %masked_sort3A_610, %masked_sort3A_611 = tpu.sort %gather3A_603, %and3A_595 masked %masked_sort3A_608 {descending = true} : (vector<16xf32>, vector<16xi32>, vector<16xi1>) -> (vector<16xi1>, vector<16xf32>, vector<16xi32>)
          %rev3A_612 = arith.constant 15 : i32
          %rev3A_613 = vector.broadcast %rev3A_612 : i32 to vector<16xi32>
          %rev3A_614 = tpu.iota {dimensions = array<i32: 0>} : vector<16xi32>
          %rev3A_615 = arith.subi %rev3A_613, %rev3A_614 : vector<16xi32>
          %rev3A_616 = tpu.dynamic_gather %masked_sort3A_610[%rev3A_615] in [0] : vector<16xf32>, vector<16xi32> -> vector<16xf32>
          %rev3A_617 = arith.constant 15 : i32
          %rev3A_618 = vector.broadcast %rev3A_617 : i32 to vector<16xi32>
          %rev3A_619 = tpu.iota {dimensions = array<i32: 0>} : vector<16xi32>
          %rev3A_620 = arith.subi %rev3A_618, %rev3A_619 : vector<16xi32>
          %rev3A_621 = tpu.dynamic_gather %masked_sort3A_611[%rev3A_620] in [0] : vector<16xi32>, vector<16xi32> -> vector<16xi32>
          %ge3A_622 = arith.cmpf oge, %masked_sort3A_606, %rev3A_616 : vector<16xf32>
          %select_n3A_623 = arith.select %ge3A_622, %masked_sort3A_606, %rev3A_616 : vector<16xi1>, vector<16xf32>
          %select_n3A_624 = arith.select %ge3A_622, %masked_sort3A_607, %rev3A_621 : vector<16xi1>, vector<16xi32>
          %select_n3A_625 = arith.select %ge3A_622, %rev3A_616, %masked_sort3A_606 : vector<16xi1>, vector<16xf32>
          %select_n3A_626 = arith.select %ge3A_622, %rev3A_621, %masked_sort3A_607 : vector<16xi1>, vector<16xi32>
          %masked_sort3A_627 = arith.constant dense<true> : vector<16xi1>
          %masked_sort3A_628, %masked_sort3A_629, %masked_sort3A_630 = tpu.sort %select_n3A_623, %select_n3A_624 masked %masked_sort3A_627 {descending = true} : (vector<16xf32>, vector<16xi32>, vector<16xi1>) -> (vector<16xi1>, vector<16xf32>, vector<16xi32>)
          %masked_sort3A_631 = arith.constant dense<true> : vector<16xi1>
          %masked_sort3A_632, %masked_sort3A_633, %masked_sort3A_634 = tpu.sort %select_n3A_625, %select_n3A_626 masked %masked_sort3A_631 {descending = true} : (vector<16xf32>, vector<16xi32>, vector<16xi1>) -> (vector<16xi1>, vector<16xf32>, vector<16xi32>)
          %rev3A_635 = arith.constant 15 : i32
          %rev3A_636 = vector.broadcast %rev3A_635 : i32 to vector<16xi32>
          %rev3A_637 = tpu.iota {dimensions = array<i32: 0>} : vector<16xi32>
          %rev3A_638 = arith.subi %rev3A_636, %rev3A_637 : vector<16xi32>
          %rev3A_639 = tpu.dynamic_gather %masked_sort3A_633[%rev3A_638] in [0] : vector<16xf32>, vector<16xi32> -> vector<16xf32>
          %rev3A_640 = arith.constant 15 : i32
          %rev3A_641 = vector.broadcast %rev3A_640 : i32 to vector<16xi32>
          %rev3A_642 = tpu.iota {dimensions = array<i32: 0>} : vector<16xi32>
          %rev3A_643 = arith.subi %rev3A_641, %rev3A_642 : vector<16xi32>
          %rev3A_644 = tpu.dynamic_gather %masked_sort3A_634[%rev3A_643] in [0] : vector<16xi32>, vector<16xi32> -> vector<16xi32>
          %ge3A_645 = arith.cmpf oge, %while3A_574, %rev3A_639 : vector<16xf32>
          %select_n3A_646 = arith.select %ge3A_645, %while3A_574, %rev3A_639 : vector<16xi1>, vector<16xf32>
          %select_n3A_647 = arith.select %ge3A_645, %while3A_575, %rev3A_644 : vector<16xi1>, vector<16xi32>
          %select_n3A_648 = arith.select %ge3A_645, %rev3A_639, %while3A_574 : vector<16xi1>, vector<16xf32>
          %select_n3A_649 = arith.select %ge3A_645, %rev3A_644, %while3A_575 : vector<16xi1>, vector<16xi32>
          %rev3A_650 = arith.constant 15 : i32
          %rev3A_651 = vector.broadcast %rev3A_650 : i32 to vector<16xi32>
          %rev3A_652 = tpu.iota {dimensions = array<i32: 0>} : vector<16xi32>
          %rev3A_653 = arith.subi %rev3A_651, %rev3A_652 : vector<16xi32>
          %rev3A_654 = tpu.dynamic_gather %masked_sort3A_629[%rev3A_653] in [0] : vector<16xf32>, vector<16xi32> -> vector<16xf32>
          %rev3A_655 = arith.constant 15 : i32
          %rev3A_656 = vector.broadcast %rev3A_655 : i32 to vector<16xi32>
          %rev3A_657 = tpu.iota {dimensions = array<i32: 0>} : vector<16xi32>
          %rev3A_658 = arith.subi %rev3A_656, %rev3A_657 : vector<16xi32>
          %rev3A_659 = tpu.dynamic_gather %masked_sort3A_630[%rev3A_658] in [0] : vector<16xi32>, vector<16xi32> -> vector<16xi32>
          %ge3A_660 = arith.cmpf oge, %while3A_576, %rev3A_654 : vector<16xf32>
          %select_n3A_661 = arith.select %ge3A_660, %while3A_576, %rev3A_654 : vector<16xi1>, vector<16xf32>
          %select_n3A_662 = arith.select %ge3A_660, %while3A_577, %rev3A_659 : vector<16xi1>, vector<16xi32>
          %select_n3A_663 = arith.select %ge3A_660, %rev3A_654, %while3A_576 : vector<16xi1>, vector<16xf32>
          %select_n3A_664 = arith.select %ge3A_660, %rev3A_659, %while3A_577 : vector<16xi1>, vector<16xi32>
          %ge3A_665 = arith.cmpf oge, %select_n3A_646, %select_n3A_661 : vector<16xf32>
          %select_n3A_666 = arith.select %ge3A_665, %select_n3A_646, %select_n3A_661 : vector<16xi1>, vector<16xf32>
          %select_n3A_667 = arith.select %ge3A_665, %select_n3A_647, %select_n3A_662 : vector<16xi1>, vector<16xi32>
          %select_n3A_668 = arith.select %ge3A_665, %select_n3A_661, %select_n3A_646 : vector<16xi1>, vector<16xf32>
          %select_n3A_669 = arith.select %ge3A_665, %select_n3A_662, %select_n3A_647 : vector<16xi1>, vector<16xi32>
          %masked_sort3A_670 = arith.constant dense<true> : vector<16xi1>
          %masked_sort3A_671, %masked_sort3A_672, %masked_sort3A_673 = tpu.sort %select_n3A_666, %select_n3A_667 masked %masked_sort3A_670 {descending = true} : (vector<16xf32>, vector<16xi32>, vector<16xi1>) -> (vector<16xi1>, vector<16xf32>, vector<16xi32>)
          %masked_sort3A_674 = arith.constant dense<true> : vector<16xi1>
          %masked_sort3A_675, %masked_sort3A_676, %masked_sort3A_677 = tpu.sort %select_n3A_668, %select_n3A_669 masked %masked_sort3A_674 {descending = true} : (vector<16xf32>, vector<16xi32>, vector<16xi1>) -> (vector<16xi1>, vector<16xf32>, vector<16xi32>)
          %get3A_678 = arith.index_cast %mul3A_583 : i32 to index
          %get3A_679 = tpu.vector_load %arg12[%get3A_678] {strides = array<i32>} : memref<1056xi32, #tpu.memory_space<vmem>>, vector<16xi32>,
          %and3A_680 = arith.constant 1023 : i32
          %and3A_681 = vector.broadcast %and3A_680 : i32 to vector<16xi32>
          %and3A_682 = arith.andi %get3A_679, %and3A_681 : vector<16xi32>
          %add3A_683 = arith.constant 16 : i32
          %add3A_684 = arith.addi %mul3A_583, %add3A_683 : i32
          %get3A_685 = arith.index_cast %add3A_684 : i32 to index
          %get3A_686 = tpu.vector_load %arg12[%get3A_685] {strides = array<i32>} : memref<1056xi32, #tpu.memory_space<vmem>>, vector<16xi32>,
          %and3A_687 = arith.constant 1023 : i32
          %and3A_688 = vector.broadcast %and3A_687 : i32 to vector<16xi32>
          %and3A_689 = arith.andi %get3A_686, %and3A_688 : vector<16xi32>
          %add3A_690 = arith.constant 1024 : i32
          %add3A_691 = vector.broadcast %add3A_690 : i32 to vector<16xi32>
          %add3A_692 = arith.addi %and3A_682, %add3A_691 : vector<16xi32>
          %gather3A_693 = tpu.vector_load_idx %arg9[%add3A_130, %add3A_692] : memref<32x2048xf32, #tpu.memory_space<vmem>>[vector<16xi32>, vector<16xi32>], vector<16xf32>,
          %add3A_694 = arith.constant 1024 : i32
          %add3A_695 = vector.broadcast %add3A_694 : i32 to vector<16xi32>
          %add3A_696 = arith.addi %and3A_689, %add3A_695 : vector<16xi32>
          %gather3A_697 = tpu.vector_load_idx %arg9[%add3A_130, %add3A_696] : memref<32x2048xf32, #tpu.memory_space<vmem>>[vector<16xi32>, vector<16xi32>], vector<16xf32>,
          %masked_sort3A_698 = arith.constant dense<true> : vector<16xi1>
          %masked_sort3A_699, %masked_sort3A_700, %masked_sort3A_701 = tpu.sort %gather3A_693, %and3A_682 masked %masked_sort3A_698 {descending = true} : (vector<16xf32>, vector<16xi32>, vector<16xi1>) -> (vector<16xi1>, vector<16xf32>, vector<16xi32>)
          %masked_sort3A_702 = arith.constant dense<true> : vector<16xi1>
          %masked_sort3A_703, %masked_sort3A_704, %masked_sort3A_705 = tpu.sort %gather3A_697, %and3A_689 masked %masked_sort3A_702 {descending = true} : (vector<16xf32>, vector<16xi32>, vector<16xi1>) -> (vector<16xi1>, vector<16xf32>, vector<16xi32>)
          %rev3A_706 = arith.constant 15 : i32
          %rev3A_707 = vector.broadcast %rev3A_706 : i32 to vector<16xi32>
          %rev3A_708 = tpu.iota {dimensions = array<i32: 0>} : vector<16xi32>
          %rev3A_709 = arith.subi %rev3A_707, %rev3A_708 : vector<16xi32>
          %rev3A_710 = tpu.dynamic_gather %masked_sort3A_704[%rev3A_709] in [0] : vector<16xf32>, vector<16xi32> -> vector<16xf32>
          %rev3A_711 = arith.constant 15 : i32
          %rev3A_712 = vector.broadcast %rev3A_711 : i32 to vector<16xi32>
          %rev3A_713 = tpu.iota {dimensions = array<i32: 0>} : vector<16xi32>
          %rev3A_714 = arith.subi %rev3A_712, %rev3A_713 : vector<16xi32>
          %rev3A_715 = tpu.dynamic_gather %masked_sort3A_705[%rev3A_714] in [0] : vector<16xi32>, vector<16xi32> -> vector<16xi32>
          %ge3A_716 = arith.cmpf oge, %masked_sort3A_700, %rev3A_710 : vector<16xf32>
          %select_n3A_717 = arith.select %ge3A_716, %masked_sort3A_700, %rev3A_710 : vector<16xi1>, vector<16xf32>
          %select_n3A_718 = arith.select %ge3A_716, %masked_sort3A_701, %rev3A_715 : vector<16xi1>, vector<16xi32>
          %select_n3A_719 = arith.select %ge3A_716, %rev3A_710, %masked_sort3A_700 : vector<16xi1>, vector<16xf32>
          %select_n3A_720 = arith.select %ge3A_716, %rev3A_715, %masked_sort3A_701 : vector<16xi1>, vector<16xi32>
          %masked_sort3A_721 = arith.constant dense<true> : vector<16xi1>
          %masked_sort3A_722, %masked_sort3A_723, %masked_sort3A_724 = tpu.sort %select_n3A_717, %select_n3A_718 masked %masked_sort3A_721 {descending = true} : (vector<16xf32>, vector<16xi32>, vector<16xi1>) -> (vector<16xi1>, vector<16xf32>, vector<16xi32>)
          %masked_sort3A_725 = arith.constant dense<true> : vector<16xi1>
          %masked_sort3A_726, %masked_sort3A_727, %masked_sort3A_728 = tpu.sort %select_n3A_719, %select_n3A_720 masked %masked_sort3A_725 {descending = true} : (vector<16xf32>, vector<16xi32>, vector<16xi1>) -> (vector<16xi1>, vector<16xf32>, vector<16xi32>)
          %rev3A_729 = arith.constant 15 : i32
          %rev3A_730 = vector.broadcast %rev3A_729 : i32 to vector<16xi32>
          %rev3A_731 = tpu.iota {dimensions = array<i32: 0>} : vector<16xi32>
          %rev3A_732 = arith.subi %rev3A_730, %rev3A_731 : vector<16xi32>
          %rev3A_733 = tpu.dynamic_gather %masked_sort3A_727[%rev3A_732] in [0] : vector<16xf32>, vector<16xi32> -> vector<16xf32>
          %rev3A_734 = arith.constant 15 : i32
          %rev3A_735 = vector.broadcast %rev3A_734 : i32 to vector<16xi32>
          %rev3A_736 = tpu.iota {dimensions = array<i32: 0>} : vector<16xi32>
          %rev3A_737 = arith.subi %rev3A_735, %rev3A_736 : vector<16xi32>
          %rev3A_738 = tpu.dynamic_gather %masked_sort3A_728[%rev3A_737] in [0] : vector<16xi32>, vector<16xi32> -> vector<16xi32>
          %ge3A_739 = arith.cmpf oge, %while3A_578, %rev3A_733 : vector<16xf32>
          %select_n3A_740 = arith.select %ge3A_739, %while3A_578, %rev3A_733 : vector<16xi1>, vector<16xf32>
          %select_n3A_741 = arith.select %ge3A_739, %while3A_579, %rev3A_738 : vector<16xi1>, vector<16xi32>
          %select_n3A_742 = arith.select %ge3A_739, %rev3A_733, %while3A_578 : vector<16xi1>, vector<16xf32>
          %select_n3A_743 = arith.select %ge3A_739, %rev3A_738, %while3A_579 : vector<16xi1>, vector<16xi32>
          %rev3A_744 = arith.constant 15 : i32
          %rev3A_745 = vector.broadcast %rev3A_744 : i32 to vector<16xi32>
          %rev3A_746 = tpu.iota {dimensions = array<i32: 0>} : vector<16xi32>
          %rev3A_747 = arith.subi %rev3A_745, %rev3A_746 : vector<16xi32>
          %rev3A_748 = tpu.dynamic_gather %masked_sort3A_723[%rev3A_747] in [0] : vector<16xf32>, vector<16xi32> -> vector<16xf32>
          %rev3A_749 = arith.constant 15 : i32
          %rev3A_750 = vector.broadcast %rev3A_749 : i32 to vector<16xi32>
          %rev3A_751 = tpu.iota {dimensions = array<i32: 0>} : vector<16xi32>
          %rev3A_752 = arith.subi %rev3A_750, %rev3A_751 : vector<16xi32>
          %rev3A_753 = tpu.dynamic_gather %masked_sort3A_724[%rev3A_752] in [0] : vector<16xi32>, vector<16xi32> -> vector<16xi32>
          %ge3A_754 = arith.cmpf oge, %while3A_580, %rev3A_748 : vector<16xf32>
          %select_n3A_755 = arith.select %ge3A_754, %while3A_580, %rev3A_748 : vector<16xi1>, vector<16xf32>
          %select_n3A_756 = arith.select %ge3A_754, %while3A_581, %rev3A_753 : vector<16xi1>, vector<16xi32>
          %select_n3A_757 = arith.select %ge3A_754, %rev3A_748, %while3A_580 : vector<16xi1>, vector<16xf32>
          %select_n3A_758 = arith.select %ge3A_754, %rev3A_753, %while3A_581 : vector<16xi1>, vector<16xi32>
          %ge3A_759 = arith.cmpf oge, %select_n3A_740, %select_n3A_755 : vector<16xf32>
          %select_n3A_760 = arith.select %ge3A_759, %select_n3A_740, %select_n3A_755 : vector<16xi1>, vector<16xf32>
          %select_n3A_761 = arith.select %ge3A_759, %select_n3A_741, %select_n3A_756 : vector<16xi1>, vector<16xi32>
          %select_n3A_762 = arith.select %ge3A_759, %select_n3A_755, %select_n3A_740 : vector<16xi1>, vector<16xf32>
          %select_n3A_763 = arith.select %ge3A_759, %select_n3A_756, %select_n3A_741 : vector<16xi1>, vector<16xi32>
          %masked_sort3A_764 = arith.constant dense<true> : vector<16xi1>
          %masked_sort3A_765, %masked_sort3A_766, %masked_sort3A_767 = tpu.sort %select_n3A_760, %select_n3A_761 masked %masked_sort3A_764 {descending = true} : (vector<16xf32>, vector<16xi32>, vector<16xi1>) -> (vector<16xi1>, vector<16xf32>, vector<16xi32>)
          %masked_sort3A_768 = arith.constant dense<true> : vector<16xi1>
          %masked_sort3A_769, %masked_sort3A_770, %masked_sort3A_771 = tpu.sort %select_n3A_762, %select_n3A_763 masked %masked_sort3A_768 {descending = true} : (vector<16xf32>, vector<16xi32>, vector<16xi1>) -> (vector<16xi1>, vector<16xf32>, vector<16xi32>)
          %lt3A_772 = arith.cmpi slt, %while3A_573, %select_n3A_98 : i32
          %lt3A_773 = arith.cmpi slt, %while3A_573, %select_n3A_126 : i32
          %select_n3A_774 = arith.select %lt3A_772, %masked_sort3A_672, %while3A_574 : vector<16xf32>
          %select_n3A_775 = arith.select %lt3A_772, %masked_sort3A_673, %while3A_575 : vector<16xi32>
          %select_n3A_776 = arith.select %lt3A_772, %masked_sort3A_676, %while3A_576 : vector<16xf32>
          %select_n3A_777 = arith.select %lt3A_772, %masked_sort3A_677, %while3A_577 : vector<16xi32>
          %select_n3A_778 = arith.select %lt3A_773, %masked_sort3A_766, %while3A_578 : vector<16xf32>
          %select_n3A_779 = arith.select %lt3A_773, %masked_sort3A_767, %while3A_579 : vector<16xi32>
          %select_n3A_780 = arith.select %lt3A_773, %masked_sort3A_770, %while3A_580 : vector<16xf32>
          %select_n3A_781 = arith.select %lt3A_773, %masked_sort3A_771, %while3A_581 : vector<16xi32>
          scf.yield %select_n3A_774, %select_n3A_775, %select_n3A_776, %select_n3A_777, %select_n3A_778, %select_n3A_779, %select_n3A_780, %select_n3A_781 : vector<16xf32>, vector<16xi32>, vector<16xf32>, vector<16xi32>, vector<16xf32>, vector<16xi32>, vector<16xf32>, vector<16xi32>
        }
        %while3A_139 = arith.constant 1 : i32
        %while3A_140:8 = scf.for %while3A_573 = %while3A_136 to %while3A_132 step %while3A_139 iter_args(%while3A_574 = %while3A_138#0, %while3A_575 = %while3A_138#1, %while3A_576 = %while3A_138#2, %while3A_577 = %while3A_138#3, %while3A_578 = %while3A_138#4, %while3A_579 = %while3A_138#5, %while3A_580 = %while3A_138#6, %while3A_581 = %while3A_138#7) -> (vector<16xf32>, vector<16xi32>, vector<16xf32>, vector<16xi32>, vector<16xf32>, vector<16xi32>, vector<16xf32>, vector<16xi32>)  : i32 {
          %mul3A_582 = arith.constant 32 : i32
          %mul3A_583 = arith.muli %mul3A_582, %while3A_573 : i32
          %get3A_584 = arith.index_cast %mul3A_583 : i32 to index
          %get3A_585 = tpu.vector_load %arg11[%get3A_584] {strides = array<i32>} : memref<1056xi32, #tpu.memory_space<vmem>>, vector<16xi32>,
          %and3A_586 = arith.constant 1023 : i32
          %and3A_587 = vector.broadcast %and3A_586 : i32 to vector<16xi32>
          %and3A_588 = arith.andi %get3A_585, %and3A_587 : vector<16xi32>
          %add3A_589 = arith.constant 16 : i32
          %add3A_590 = arith.addi %mul3A_583, %add3A_589 : i32
          %get3A_591 = arith.index_cast %add3A_590 : i32 to index
          %get3A_592 = tpu.vector_load %arg11[%get3A_591] {strides = array<i32>} : memref<1056xi32, #tpu.memory_space<vmem>>, vector<16xi32>,
          %and3A_593 = arith.constant 1023 : i32
          %and3A_594 = vector.broadcast %and3A_593 : i32 to vector<16xi32>
          %and3A_595 = arith.andi %get3A_592, %and3A_594 : vector<16xi32>
          %add3A_596 = arith.constant 0 : i32
          %add3A_597 = vector.broadcast %add3A_596 : i32 to vector<16xi32>
          %add3A_598 = arith.addi %and3A_588, %add3A_597 : vector<16xi32>
          %gather3A_599 = tpu.vector_load_idx %arg9[%add3A_130, %add3A_598] : memref<32x2048xf32, #tpu.memory_space<vmem>>[vector<16xi32>, vector<16xi32>], vector<16xf32>,
          %add3A_600 = arith.constant 0 : i32
          %add3A_601 = vector.broadcast %add3A_600 : i32 to vector<16xi32>
          %add3A_602 = arith.addi %and3A_595, %add3A_601 : vector<16xi32>
          %gather3A_603 = tpu.vector_load_idx %arg9[%add3A_130, %add3A_602] : memref<32x2048xf32, #tpu.memory_space<vmem>>[vector<16xi32>, vector<16xi32>], vector<16xf32>,
          %masked_sort3A_604 = arith.constant dense<true> : vector<16xi1>
          %masked_sort3A_605, %masked_sort3A_606, %masked_sort3A_607 = tpu.sort %gather3A_599, %and3A_588 masked %masked_sort3A_604 {descending = true} : (vector<16xf32>, vector<16xi32>, vector<16xi1>) -> (vector<16xi1>, vector<16xf32>, vector<16xi32>)
          %masked_sort3A_608 = arith.constant dense<true> : vector<16xi1>
          %masked_sort3A_609, %masked_sort3A_610, %masked_sort3A_611 = tpu.sort %gather3A_603, %and3A_595 masked %masked_sort3A_608 {descending = true} : (vector<16xf32>, vector<16xi32>, vector<16xi1>) -> (vector<16xi1>, vector<16xf32>, vector<16xi32>)
          %rev3A_612 = arith.constant 15 : i32
          %rev3A_613 = vector.broadcast %rev3A_612 : i32 to vector<16xi32>
          %rev3A_614 = tpu.iota {dimensions = array<i32: 0>} : vector<16xi32>
          %rev3A_615 = arith.subi %rev3A_613, %rev3A_614 : vector<16xi32>
          %rev3A_616 = tpu.dynamic_gather %masked_sort3A_610[%rev3A_615] in [0] : vector<16xf32>, vector<16xi32> -> vector<16xf32>
          %rev3A_617 = arith.constant 15 : i32
          %rev3A_618 = vector.broadcast %rev3A_617 : i32 to vector<16xi32>
          %rev3A_619 = tpu.iota {dimensions = array<i32: 0>} : vector<16xi32>
          %rev3A_620 = arith.subi %rev3A_618, %rev3A_619 : vector<16xi32>
          %rev3A_621 = tpu.dynamic_gather %masked_sort3A_611[%rev3A_620] in [0] : vector<16xi32>, vector<16xi32> -> vector<16xi32>
          %ge3A_622 = arith.cmpf oge, %masked_sort3A_606, %rev3A_616 : vector<16xf32>
          %select_n3A_623 = arith.select %ge3A_622, %masked_sort3A_606, %rev3A_616 : vector<16xi1>, vector<16xf32>
          %select_n3A_624 = arith.select %ge3A_622, %masked_sort3A_607, %rev3A_621 : vector<16xi1>, vector<16xi32>
          %select_n3A_625 = arith.select %ge3A_622, %rev3A_616, %masked_sort3A_606 : vector<16xi1>, vector<16xf32>
          %select_n3A_626 = arith.select %ge3A_622, %rev3A_621, %masked_sort3A_607 : vector<16xi1>, vector<16xi32>
          %masked_sort3A_627 = arith.constant dense<true> : vector<16xi1>
          %masked_sort3A_628, %masked_sort3A_629, %masked_sort3A_630 = tpu.sort %select_n3A_623, %select_n3A_624 masked %masked_sort3A_627 {descending = true} : (vector<16xf32>, vector<16xi32>, vector<16xi1>) -> (vector<16xi1>, vector<16xf32>, vector<16xi32>)
          %masked_sort3A_631 = arith.constant dense<true> : vector<16xi1>
          %masked_sort3A_632, %masked_sort3A_633, %masked_sort3A_634 = tpu.sort %select_n3A_625, %select_n3A_626 masked %masked_sort3A_631 {descending = true} : (vector<16xf32>, vector<16xi32>, vector<16xi1>) -> (vector<16xi1>, vector<16xf32>, vector<16xi32>)
          %rev3A_635 = arith.constant 15 : i32
          %rev3A_636 = vector.broadcast %rev3A_635 : i32 to vector<16xi32>
          %rev3A_637 = tpu.iota {dimensions = array<i32: 0>} : vector<16xi32>
          %rev3A_638 = arith.subi %rev3A_636, %rev3A_637 : vector<16xi32>
          %rev3A_639 = tpu.dynamic_gather %masked_sort3A_633[%rev3A_638] in [0] : vector<16xf32>, vector<16xi32> -> vector<16xf32>
          %rev3A_640 = arith.constant 15 : i32
          %rev3A_641 = vector.broadcast %rev3A_640 : i32 to vector<16xi32>
          %rev3A_642 = tpu.iota {dimensions = array<i32: 0>} : vector<16xi32>
          %rev3A_643 = arith.subi %rev3A_641, %rev3A_642 : vector<16xi32>
          %rev3A_644 = tpu.dynamic_gather %masked_sort3A_634[%rev3A_643] in [0] : vector<16xi32>, vector<16xi32> -> vector<16xi32>
          %ge3A_645 = arith.cmpf oge, %while3A_574, %rev3A_639 : vector<16xf32>
          %select_n3A_646 = arith.select %ge3A_645, %while3A_574, %rev3A_639 : vector<16xi1>, vector<16xf32>
          %select_n3A_647 = arith.select %ge3A_645, %while3A_575, %rev3A_644 : vector<16xi1>, vector<16xi32>
          %select_n3A_648 = arith.select %ge3A_645, %rev3A_639, %while3A_574 : vector<16xi1>, vector<16xf32>
          %select_n3A_649 = arith.select %ge3A_645, %rev3A_644, %while3A_575 : vector<16xi1>, vector<16xi32>
          %rev3A_650 = arith.constant 15 : i32
          %rev3A_651 = vector.broadcast %rev3A_650 : i32 to vector<16xi32>
          %rev3A_652 = tpu.iota {dimensions = array<i32: 0>} : vector<16xi32>
          %rev3A_653 = arith.subi %rev3A_651, %rev3A_652 : vector<16xi32>
          %rev3A_654 = tpu.dynamic_gather %masked_sort3A_629[%rev3A_653] in [0] : vector<16xf32>, vector<16xi32> -> vector<16xf32>
          %rev3A_655 = arith.constant 15 : i32
          %rev3A_656 = vector.broadcast %rev3A_655 : i32 to vector<16xi32>
          %rev3A_657 = tpu.iota {dimensions = array<i32: 0>} : vector<16xi32>
          %rev3A_658 = arith.subi %rev3A_656, %rev3A_657 : vector<16xi32>
          %rev3A_659 = tpu.dynamic_gather %masked_sort3A_630[%rev3A_658] in [0] : vector<16xi32>, vector<16xi32> -> vector<16xi32>
          %ge3A_660 = arith.cmpf oge, %while3A_576, %rev3A_654 : vector<16xf32>
          %select_n3A_661 = arith.select %ge3A_660, %while3A_576, %rev3A_654 : vector<16xi1>, vector<16xf32>
          %select_n3A_662 = arith.select %ge3A_660, %while3A_577, %rev3A_659 : vector<16xi1>, vector<16xi32>
          %select_n3A_663 = arith.select %ge3A_660, %rev3A_654, %while3A_576 : vector<16xi1>, vector<16xf32>
          %select_n3A_664 = arith.select %ge3A_660, %rev3A_659, %while3A_577 : vector<16xi1>, vector<16xi32>
          %ge3A_665 = arith.cmpf oge, %select_n3A_646, %select_n3A_661 : vector<16xf32>
          %select_n3A_666 = arith.select %ge3A_665, %select_n3A_646, %select_n3A_661 : vector<16xi1>, vector<16xf32>
          %select_n3A_667 = arith.select %ge3A_665, %select_n3A_647, %select_n3A_662 : vector<16xi1>, vector<16xi32>
          %select_n3A_668 = arith.select %ge3A_665, %select_n3A_661, %select_n3A_646 : vector<16xi1>, vector<16xf32>
          %select_n3A_669 = arith.select %ge3A_665, %select_n3A_662, %select_n3A_647 : vector<16xi1>, vector<16xi32>
          %masked_sort3A_670 = arith.constant dense<true> : vector<16xi1>
          %masked_sort3A_671, %masked_sort3A_672, %masked_sort3A_673 = tpu.sort %select_n3A_666, %select_n3A_667 masked %masked_sort3A_670 {descending = true} : (vector<16xf32>, vector<16xi32>, vector<16xi1>) -> (vector<16xi1>, vector<16xf32>, vector<16xi32>)
          %masked_sort3A_674 = arith.constant dense<true> : vector<16xi1>
          %masked_sort3A_675, %masked_sort3A_676, %masked_sort3A_677 = tpu.sort %select_n3A_668, %select_n3A_669 masked %masked_sort3A_674 {descending = true} : (vector<16xf32>, vector<16xi32>, vector<16xi1>) -> (vector<16xi1>, vector<16xf32>, vector<16xi32>)
          %get3A_678 = arith.index_cast %mul3A_583 : i32 to index
          %get3A_679 = tpu.vector_load %arg12[%get3A_678] {strides = array<i32>} : memref<1056xi32, #tpu.memory_space<vmem>>, vector<16xi32>,
          %and3A_680 = arith.constant 1023 : i32
          %and3A_681 = vector.broadcast %and3A_680 : i32 to vector<16xi32>
          %and3A_682 = arith.andi %get3A_679, %and3A_681 : vector<16xi32>
          %add3A_683 = arith.constant 16 : i32
          %add3A_684 = arith.addi %mul3A_583, %add3A_683 : i32
          %get3A_685 = arith.index_cast %add3A_684 : i32 to index
          %get3A_686 = tpu.vector_load %arg12[%get3A_685] {strides = array<i32>} : memref<1056xi32, #tpu.memory_space<vmem>>, vector<16xi32>,
          %and3A_687 = arith.constant 1023 : i32
          %and3A_688 = vector.broadcast %and3A_687 : i32 to vector<16xi32>
          %and3A_689 = arith.andi %get3A_686, %and3A_688 : vector<16xi32>
          %add3A_690 = arith.constant 1024 : i32
          %add3A_691 = vector.broadcast %add3A_690 : i32 to vector<16xi32>
          %add3A_692 = arith.addi %and3A_682, %add3A_691 : vector<16xi32>
          %gather3A_693 = tpu.vector_load_idx %arg9[%add3A_130, %add3A_692] : memref<32x2048xf32, #tpu.memory_space<vmem>>[vector<16xi32>, vector<16xi32>], vector<16xf32>,
          %add3A_694 = arith.constant 1024 : i32
          %add3A_695 = vector.broadcast %add3A_694 : i32 to vector<16xi32>
          %add3A_696 = arith.addi %and3A_689, %add3A_695 : vector<16xi32>
          %gather3A_697 = tpu.vector_load_idx %arg9[%add3A_130, %add3A_696] : memref<32x2048xf32, #tpu.memory_space<vmem>>[vector<16xi32>, vector<16xi32>], vector<16xf32>,
          %masked_sort3A_698 = arith.constant dense<true> : vector<16xi1>
          %masked_sort3A_699, %masked_sort3A_700, %masked_sort3A_701 = tpu.sort %gather3A_693, %and3A_682 masked %masked_sort3A_698 {descending = true} : (vector<16xf32>, vector<16xi32>, vector<16xi1>) -> (vector<16xi1>, vector<16xf32>, vector<16xi32>)
          %masked_sort3A_702 = arith.constant dense<true> : vector<16xi1>
          %masked_sort3A_703, %masked_sort3A_704, %masked_sort3A_705 = tpu.sort %gather3A_697, %and3A_689 masked %masked_sort3A_702 {descending = true} : (vector<16xf32>, vector<16xi32>, vector<16xi1>) -> (vector<16xi1>, vector<16xf32>, vector<16xi32>)
          %rev3A_706 = arith.constant 15 : i32
          %rev3A_707 = vector.broadcast %rev3A_706 : i32 to vector<16xi32>
          %rev3A_708 = tpu.iota {dimensions = array<i32: 0>} : vector<16xi32>
          %rev3A_709 = arith.subi %rev3A_707, %rev3A_708 : vector<16xi32>
          %rev3A_710 = tpu.dynamic_gather %masked_sort3A_704[%rev3A_709] in [0] : vector<16xf32>, vector<16xi32> -> vector<16xf32>
          %rev3A_711 = arith.constant 15 : i32
          %rev3A_712 = vector.broadcast %rev3A_711 : i32 to vector<16xi32>
          %rev3A_713 = tpu.iota {dimensions = array<i32: 0>} : vector<16xi32>
          %rev3A_714 = arith.subi %rev3A_712, %rev3A_713 : vector<16xi32>
          %rev3A_715 = tpu.dynamic_gather %masked_sort3A_705[%rev3A_714] in [0] : vector<16xi32>, vector<16xi32> -> vector<16xi32>
          %ge3A_716 = arith.cmpf oge, %masked_sort3A_700, %rev3A_710 : vector<16xf32>
          %select_n3A_717 = arith.select %ge3A_716, %masked_sort3A_700, %rev3A_710 : vector<16xi1>, vector<16xf32>
          %select_n3A_718 = arith.select %ge3A_716, %masked_sort3A_701, %rev3A_715 : vector<16xi1>, vector<16xi32>
          %select_n3A_719 = arith.select %ge3A_716, %rev3A_710, %masked_sort3A_700 : vector<16xi1>, vector<16xf32>
          %select_n3A_720 = arith.select %ge3A_716, %rev3A_715, %masked_sort3A_701 : vector<16xi1>, vector<16xi32>
          %masked_sort3A_721 = arith.constant dense<true> : vector<16xi1>
          %masked_sort3A_722, %masked_sort3A_723, %masked_sort3A_724 = tpu.sort %select_n3A_717, %select_n3A_718 masked %masked_sort3A_721 {descending = true} : (vector<16xf32>, vector<16xi32>, vector<16xi1>) -> (vector<16xi1>, vector<16xf32>, vector<16xi32>)
          %masked_sort3A_725 = arith.constant dense<true> : vector<16xi1>
          %masked_sort3A_726, %masked_sort3A_727, %masked_sort3A_728 = tpu.sort %select_n3A_719, %select_n3A_720 masked %masked_sort3A_725 {descending = true} : (vector<16xf32>, vector<16xi32>, vector<16xi1>) -> (vector<16xi1>, vector<16xf32>, vector<16xi32>)
          %rev3A_729 = arith.constant 15 : i32
          %rev3A_730 = vector.broadcast %rev3A_729 : i32 to vector<16xi32>
          %rev3A_731 = tpu.iota {dimensions = array<i32: 0>} : vector<16xi32>
          %rev3A_732 = arith.subi %rev3A_730, %rev3A_731 : vector<16xi32>
          %rev3A_733 = tpu.dynamic_gather %masked_sort3A_727[%rev3A_732] in [0] : vector<16xf32>, vector<16xi32> -> vector<16xf32>
          %rev3A_734 = arith.constant 15 : i32
          %rev3A_735 = vector.broadcast %rev3A_734 : i32 to vector<16xi32>
          %rev3A_736 = tpu.iota {dimensions = array<i32: 0>} : vector<16xi32>
          %rev3A_737 = arith.subi %rev3A_735, %rev3A_736 : vector<16xi32>
          %rev3A_738 = tpu.dynamic_gather %masked_sort3A_728[%rev3A_737] in [0] : vector<16xi32>, vector<16xi32> -> vector<16xi32>
          %ge3A_739 = arith.cmpf oge, %while3A_578, %rev3A_733 : vector<16xf32>
          %select_n3A_740 = arith.select %ge3A_739, %while3A_578, %rev3A_733 : vector<16xi1>, vector<16xf32>
          %select_n3A_741 = arith.select %ge3A_739, %while3A_579, %rev3A_738 : vector<16xi1>, vector<16xi32>
          %select_n3A_742 = arith.select %ge3A_739, %rev3A_733, %while3A_578 : vector<16xi1>, vector<16xf32>
          %select_n3A_743 = arith.select %ge3A_739, %rev3A_738, %while3A_579 : vector<16xi1>, vector<16xi32>
          %rev3A_744 = arith.constant 15 : i32
          %rev3A_745 = vector.broadcast %rev3A_744 : i32 to vector<16xi32>
          %rev3A_746 = tpu.iota {dimensions = array<i32: 0>} : vector<16xi32>
          %rev3A_747 = arith.subi %rev3A_745, %rev3A_746 : vector<16xi32>
          %rev3A_748 = tpu.dynamic_gather %masked_sort3A_723[%rev3A_747] in [0] : vector<16xf32>, vector<16xi32> -> vector<16xf32>
          %rev3A_749 = arith.constant 15 : i32
          %rev3A_750 = vector.broadcast %rev3A_749 : i32 to vector<16xi32>
          %rev3A_751 = tpu.iota {dimensions = array<i32: 0>} : vector<16xi32>
          %rev3A_752 = arith.subi %rev3A_750, %rev3A_751 : vector<16xi32>
          %rev3A_753 = tpu.dynamic_gather %masked_sort3A_724[%rev3A_752] in [0] : vector<16xi32>, vector<16xi32> -> vector<16xi32>
          %ge3A_754 = arith.cmpf oge, %while3A_580, %rev3A_748 : vector<16xf32>
          %select_n3A_755 = arith.select %ge3A_754, %while3A_580, %rev3A_748 : vector<16xi1>, vector<16xf32>
          %select_n3A_756 = arith.select %ge3A_754, %while3A_581, %rev3A_753 : vector<16xi1>, vector<16xi32>
          %select_n3A_757 = arith.select %ge3A_754, %rev3A_748, %while3A_580 : vector<16xi1>, vector<16xf32>
          %select_n3A_758 = arith.select %ge3A_754, %rev3A_753, %while3A_581 : vector<16xi1>, vector<16xi32>
          %ge3A_759 = arith.cmpf oge, %select_n3A_740, %select_n3A_755 : vector<16xf32>
          %select_n3A_760 = arith.select %ge3A_759, %select_n3A_740, %select_n3A_755 : vector<16xi1>, vector<16xf32>
          %select_n3A_761 = arith.select %ge3A_759, %select_n3A_741, %select_n3A_756 : vector<16xi1>, vector<16xi32>
          %select_n3A_762 = arith.select %ge3A_759, %select_n3A_755, %select_n3A_740 : vector<16xi1>, vector<16xf32>
          %select_n3A_763 = arith.select %ge3A_759, %select_n3A_756, %select_n3A_741 : vector<16xi1>, vector<16xi32>
          %masked_sort3A_764 = arith.constant dense<true> : vector<16xi1>
          %masked_sort3A_765, %masked_sort3A_766, %masked_sort3A_767 = tpu.sort %select_n3A_760, %select_n3A_761 masked %masked_sort3A_764 {descending = true} : (vector<16xf32>, vector<16xi32>, vector<16xi1>) -> (vector<16xi1>, vector<16xf32>, vector<16xi32>)
          %masked_sort3A_768 = arith.constant dense<true> : vector<16xi1>
          %masked_sort3A_769, %masked_sort3A_770, %masked_sort3A_771 = tpu.sort %select_n3A_762, %select_n3A_763 masked %masked_sort3A_768 {descending = true} : (vector<16xf32>, vector<16xi32>, vector<16xi1>) -> (vector<16xi1>, vector<16xf32>, vector<16xi32>)
          %lt3A_772 = arith.cmpi slt, %while3A_573, %select_n3A_98 : i32
          %lt3A_773 = arith.cmpi slt, %while3A_573, %select_n3A_126 : i32
          %select_n3A_774 = arith.select %lt3A_772, %masked_sort3A_672, %while3A_574 : vector<16xf32>
          %select_n3A_775 = arith.select %lt3A_772, %masked_sort3A_673, %while3A_575 : vector<16xi32>
          %select_n3A_776 = arith.select %lt3A_772, %masked_sort3A_676, %while3A_576 : vector<16xf32>
          %select_n3A_777 = arith.select %lt3A_772, %masked_sort3A_677, %while3A_577 : vector<16xi32>
          %select_n3A_778 = arith.select %lt3A_773, %masked_sort3A_766, %while3A_578 : vector<16xf32>
          %select_n3A_779 = arith.select %lt3A_773, %masked_sort3A_767, %while3A_579 : vector<16xi32>
          %select_n3A_780 = arith.select %lt3A_773, %masked_sort3A_770, %while3A_580 : vector<16xf32>
          %select_n3A_781 = arith.select %lt3A_773, %masked_sort3A_771, %while3A_581 : vector<16xi32>
          scf.yield %select_n3A_774, %select_n3A_775, %select_n3A_776, %select_n3A_777, %select_n3A_778, %select_n3A_779, %select_n3A_780, %select_n3A_781 : vector<16xf32>, vector<16xi32>, vector<16xf32>, vector<16xi32>, vector<16xf32>, vector<16xi32>, vector<16xf32>, vector<16xi32>
        }
        %swap3A_141 = arith.constant 0 : index
        %swap3A_142 = tpu.vector_load %arg13[%swap3A_141] {strides = array<i32>} : memref<64xf32, #tpu.memory_space<vmem>>, vector<16xf32>,
        tpu.vector_store %arg13[%swap3A_141], %while3A_140#0 {strides = array<i32>} : memref<64xf32, #tpu.memory_space<vmem>>, vector<16xf32>,
        %swap3A_143 = arith.constant 16 : index
        %swap3A_144 = tpu.vector_load %arg13[%swap3A_143] {strides = array<i32>} : memref<64xf32, #tpu.memory_space<vmem>>, vector<16xf32>,
        tpu.vector_store %arg13[%swap3A_143], %while3A_140#2 {strides = array<i32>} : memref<64xf32, #tpu.memory_space<vmem>>, vector<16xf32>,
        %swap3A_145 = arith.constant 32 : index
        %swap3A_146 = tpu.vector_load %arg13[%swap3A_145] {strides = array<i32>} : memref<64xf32, #tpu.memory_space<vmem>>, vector<16xf32>,
        tpu.vector_store %arg13[%swap3A_145], %while3A_140#4 {strides = array<i32>} : memref<64xf32, #tpu.memory_space<vmem>>, vector<16xf32>,
        %swap3A_147 = arith.constant 48 : index
        %swap3A_148 = tpu.vector_load %arg13[%swap3A_147] {strides = array<i32>} : memref<64xf32, #tpu.memory_space<vmem>>, vector<16xf32>,
        tpu.vector_store %arg13[%swap3A_147], %while3A_140#6 {strides = array<i32>} : memref<64xf32, #tpu.memory_space<vmem>>, vector<16xf32>,
        %swap3A_149 = arith.constant 0 : index
        %swap3A_150 = tpu.vector_load %arg14[%swap3A_149] {strides = array<i32>} : memref<64xi32, #tpu.memory_space<vmem>>, vector<16xi32>,
        tpu.vector_store %arg14[%swap3A_149], %while3A_140#1 {strides = array<i32>} : memref<64xi32, #tpu.memory_space<vmem>>, vector<16xi32>,
        %swap3A_151 = arith.constant 16 : index
        %swap3A_152 = tpu.vector_load %arg14[%swap3A_151] {strides = array<i32>} : memref<64xi32, #tpu.memory_space<vmem>>, vector<16xi32>,
        tpu.vector_store %arg14[%swap3A_151], %while3A_140#3 {strides = array<i32>} : memref<64xi32, #tpu.memory_space<vmem>>, vector<16xi32>,
        %swap3A_153 = arith.constant 32 : index
        %swap3A_154 = tpu.vector_load %arg14[%swap3A_153] {strides = array<i32>} : memref<64xi32, #tpu.memory_space<vmem>>, vector<16xi32>,
        tpu.vector_store %arg14[%swap3A_153], %while3A_140#5 {strides = array<i32>} : memref<64xi32, #tpu.memory_space<vmem>>, vector<16xi32>,
        %swap3A_155 = arith.constant 48 : index
        %swap3A_156 = tpu.vector_load %arg14[%swap3A_155] {strides = array<i32>} : memref<64xi32, #tpu.memory_space<vmem>>, vector<16xi32>,
        tpu.vector_store %arg14[%swap3A_155], %while3A_140#7 {strides = array<i32>} : memref<64xi32, #tpu.memory_space<vmem>>, vector<16xi32>,
        %get3A_157 = arith.constant 0 : index
        %get3A_158 = tpu.vector_load %arg15[%get3A_157] {strides = array<i32>} : memref<128xi32, #tpu.memory_space<vmem>>, vector<16xi32>,
        %get3A_159 = arith.constant 0 : index
        %get3A_160 = tpu.vector_load %arg16[%get3A_159] {strides = array<i32>} : memref<128xi32, #tpu.memory_space<vmem>>, vector<16xi32>,
        %get3A_161 = arith.constant 0 : index
        %get3A_162 = tpu.vector_load %arg17[%get3A_161] {strides = array<i32>} : memref<128xf32, #tpu.memory_space<vmem>>, vector<16xf32>,
        %gather3A = tpu.vector_load_idx %arg13[%get3A_158] : memref<64xf32, #tpu.memory_space<vmem>>[vector<16xi32>], vector<16xf32>,
        %gather3A_163 = tpu.vector_load_idx %arg13[%get3A_160] : memref<64xf32, #tpu.memory_space<vmem>>[vector<16xi32>], vector<16xf32>,
        %gather3A_164 = tpu.vector_load_idx %arg14[%get3A_158] : memref<64xi32, #tpu.memory_space<vmem>>[vector<16xi32>], vector<16xi32>,
        %gather3A_165 = tpu.vector_load_idx %arg14[%get3A_160] : memref<64xi32, #tpu.memory_space<vmem>>[vector<16xi32>], vector<16xi32>,
        %add3A_166 = arith.addf %gather3A, %gather3A_163 : vector<16xf32>
        %max3A_167 = arith.constant 0.000000e+00 : f32
        %max3A_168 = vector.broadcast %max3A_167 : f32 to vector<16xf32>
        %max3A_169 = arith.maximumf %add3A_166, %max3A_168 : vector<16xf32>
        %add3A_170 = arith.addf %max3A_169, %get3A_162 : vector<16xf32>
        %mul3A_171 = arith.constant 1000 : i32
        %mul3A_172 = vector.broadcast %mul3A_171 : i32 to vector<16xi32>
        %mul3A_173 = arith.muli %gather3A_164, %mul3A_172 : vector<16xi32>
        %add3A_174 = arith.addi %mul3A_173, %gather3A_165 : vector<16xi32>
        %masked_sort3A = arith.constant dense<true> : vector<16xi1>
        %masked_sort3A_175, %masked_sort3A_176, %masked_sort3A_177 = tpu.sort %add3A_170, %add3A_174 masked %masked_sort3A {descending = true} : (vector<16xf32>, vector<16xi32>, vector<16xi1>) -> (vector<16xi1>, vector<16xf32>, vector<16xi32>)
        %get3A_178 = arith.constant 16 : index
        %get3A_179 = tpu.vector_load %arg15[%get3A_178] {strides = array<i32>} : memref<128xi32, #tpu.memory_space<vmem>>, vector<16xi32>,
        %get3A_180 = arith.constant 16 : index
        %get3A_181 = tpu.vector_load %arg16[%get3A_180] {strides = array<i32>} : memref<128xi32, #tpu.memory_space<vmem>>, vector<16xi32>,
        %get3A_182 = arith.constant 16 : index
        %get3A_183 = tpu.vector_load %arg17[%get3A_182] {strides = array<i32>} : memref<128xf32, #tpu.memory_space<vmem>>, vector<16xf32>,
        %gather3A_184 = tpu.vector_load_idx %arg13[%get3A_179] : memref<64xf32, #tpu.memory_space<vmem>>[vector<16xi32>], vector<16xf32>,
        %gather3A_185 = tpu.vector_load_idx %arg13[%get3A_181] : memref<64xf32, #tpu.memory_space<vmem>>[vector<16xi32>], vector<16xf32>,
        %gather3A_186 = tpu.vector_load_idx %arg14[%get3A_179] : memref<64xi32, #tpu.memory_space<vmem>>[vector<16xi32>], vector<16xi32>,
        %gather3A_187 = tpu.vector_load_idx %arg14[%get3A_181] : memref<64xi32, #tpu.memory_space<vmem>>[vector<16xi32>], vector<16xi32>,
        %add3A_188 = arith.addf %gather3A_184, %gather3A_185 : vector<16xf32>
        %max3A_189 = arith.constant 0.000000e+00 : f32
        %max3A_190 = vector.broadcast %max3A_189 : f32 to vector<16xf32>
        %max3A_191 = arith.maximumf %add3A_188, %max3A_190 : vector<16xf32>
        %add3A_192 = arith.addf %max3A_191, %get3A_183 : vector<16xf32>
        %mul3A_193 = arith.constant 1000 : i32
        %mul3A_194 = vector.broadcast %mul3A_193 : i32 to vector<16xi32>
        %mul3A_195 = arith.muli %gather3A_186, %mul3A_194 : vector<16xi32>
        %add3A_196 = arith.addi %mul3A_195, %gather3A_187 : vector<16xi32>
        %masked_sort3A_197 = arith.constant dense<true> : vector<16xi1>
        %masked_sort3A_198, %masked_sort3A_199, %masked_sort3A_200 = tpu.sort %add3A_192, %add3A_196 masked %masked_sort3A_197 {descending = true} : (vector<16xf32>, vector<16xi32>, vector<16xi1>) -> (vector<16xi1>, vector<16xf32>, vector<16xi32>)
        %rev3A = arith.constant 15 : i32
        %rev3A_201 = vector.broadcast %rev3A : i32 to vector<16xi32>
        %rev3A_202 = tpu.iota {dimensions = array<i32: 0>} : vector<16xi32>
        %rev3A_203 = arith.subi %rev3A_201, %rev3A_202 : vector<16xi32>
        %rev3A_204 = tpu.dynamic_gather %masked_sort3A_199[%rev3A_203] in [0] : vector<16xf32>, vector<16xi32> -> vector<16xf32>
        %rev3A_205 = arith.constant 15 : i32
        %rev3A_206 = vector.broadcast %rev3A_205 : i32 to vector<16xi32>
        %rev3A_207 = tpu.iota {dimensions = array<i32: 0>} : vector<16xi32>
        %rev3A_208 = arith.subi %rev3A_206, %rev3A_207 : vector<16xi32>
        %rev3A_209 = tpu.dynamic_gather %masked_sort3A_200[%rev3A_208] in [0] : vector<16xi32>, vector<16xi32> -> vector<16xi32>
        %ge3A = arith.cmpf oge, %masked_sort3A_176, %rev3A_204 : vector<16xf32>
        %select_n3A_210 = arith.select %ge3A, %masked_sort3A_176, %rev3A_204 : vector<16xi1>, vector<16xf32>
        %select_n3A_211 = arith.select %ge3A, %masked_sort3A_177, %rev3A_209 : vector<16xi1>, vector<16xi32>
        %select_n3A_212 = arith.select %ge3A, %rev3A_204, %masked_sort3A_176 : vector<16xi1>, vector<16xf32>
        %select_n3A_213 = arith.select %ge3A, %rev3A_209, %masked_sort3A_177 : vector<16xi1>, vector<16xi32>
        %masked_sort3A_214 = arith.constant dense<true> : vector<16xi1>
        %masked_sort3A_215, %masked_sort3A_216, %masked_sort3A_217 = tpu.sort %select_n3A_210, %select_n3A_211 masked %masked_sort3A_214 {descending = true} : (vector<16xf32>, vector<16xi32>, vector<16xi1>) -> (vector<16xi1>, vector<16xf32>, vector<16xi32>)
        %masked_sort3A_218 = arith.constant dense<true> : vector<16xi1>
        %masked_sort3A_219, %masked_sort3A_220, %masked_sort3A_221 = tpu.sort %select_n3A_212, %select_n3A_213 masked %masked_sort3A_218 {descending = true} : (vector<16xf32>, vector<16xi32>, vector<16xi1>) -> (vector<16xi1>, vector<16xf32>, vector<16xi32>)
        %get3A_222 = arith.constant 32 : index
        %get3A_223 = tpu.vector_load %arg15[%get3A_222] {strides = array<i32>} : memref<128xi32, #tpu.memory_space<vmem>>, vector<16xi32>,
        %get3A_224 = arith.constant 32 : index
        %get3A_225 = tpu.vector_load %arg16[%get3A_224] {strides = array<i32>} : memref<128xi32, #tpu.memory_space<vmem>>, vector<16xi32>,
        %get3A_226 = arith.constant 32 : index
        %get3A_227 = tpu.vector_load %arg17[%get3A_226] {strides = array<i32>} : memref<128xf32, #tpu.memory_space<vmem>>, vector<16xf32>,
        %gather3A_228 = tpu.vector_load_idx %arg13[%get3A_223] : memref<64xf32, #tpu.memory_space<vmem>>[vector<16xi32>], vector<16xf32>,
        %gather3A_229 = tpu.vector_load_idx %arg13[%get3A_225] : memref<64xf32, #tpu.memory_space<vmem>>[vector<16xi32>], vector<16xf32>,
        %gather3A_230 = tpu.vector_load_idx %arg14[%get3A_223] : memref<64xi32, #tpu.memory_space<vmem>>[vector<16xi32>], vector<16xi32>,
        %gather3A_231 = tpu.vector_load_idx %arg14[%get3A_225] : memref<64xi32, #tpu.memory_space<vmem>>[vector<16xi32>], vector<16xi32>,
        %add3A_232 = arith.addf %gather3A_228, %gather3A_229 : vector<16xf32>
        %max3A_233 = arith.constant 0.000000e+00 : f32
        %max3A_234 = vector.broadcast %max3A_233 : f32 to vector<16xf32>
        %max3A_235 = arith.maximumf %add3A_232, %max3A_234 : vector<16xf32>
        %add3A_236 = arith.addf %max3A_235, %get3A_227 : vector<16xf32>
        %mul3A_237 = arith.constant 1000 : i32
        %mul3A_238 = vector.broadcast %mul3A_237 : i32 to vector<16xi32>
        %mul3A_239 = arith.muli %gather3A_230, %mul3A_238 : vector<16xi32>
        %add3A_240 = arith.addi %mul3A_239, %gather3A_231 : vector<16xi32>
        %masked_sort3A_241 = arith.constant dense<true> : vector<16xi1>
        %masked_sort3A_242, %masked_sort3A_243, %masked_sort3A_244 = tpu.sort %add3A_236, %add3A_240 masked %masked_sort3A_241 {descending = true} : (vector<16xf32>, vector<16xi32>, vector<16xi1>) -> (vector<16xi1>, vector<16xf32>, vector<16xi32>)
        %get3A_245 = arith.constant 48 : index
        %get3A_246 = tpu.vector_load %arg15[%get3A_245] {strides = array<i32>} : memref<128xi32, #tpu.memory_space<vmem>>, vector<16xi32>,
        %get3A_247 = arith.constant 48 : index
        %get3A_248 = tpu.vector_load %arg16[%get3A_247] {strides = array<i32>} : memref<128xi32, #tpu.memory_space<vmem>>, vector<16xi32>,
        %get3A_249 = arith.constant 48 : index
        %get3A_250 = tpu.vector_load %arg17[%get3A_249] {strides = array<i32>} : memref<128xf32, #tpu.memory_space<vmem>>, vector<16xf32>,
        %gather3A_251 = tpu.vector_load_idx %arg13[%get3A_246] : memref<64xf32, #tpu.memory_space<vmem>>[vector<16xi32>], vector<16xf32>,
        %gather3A_252 = tpu.vector_load_idx %arg13[%get3A_248] : memref<64xf32, #tpu.memory_space<vmem>>[vector<16xi32>], vector<16xf32>,
        %gather3A_253 = tpu.vector_load_idx %arg14[%get3A_246] : memref<64xi32, #tpu.memory_space<vmem>>[vector<16xi32>], vector<16xi32>,
        %gather3A_254 = tpu.vector_load_idx %arg14[%get3A_248] : memref<64xi32, #tpu.memory_space<vmem>>[vector<16xi32>], vector<16xi32>,
        %add3A_255 = arith.addf %gather3A_251, %gather3A_252 : vector<16xf32>
        %max3A_256 = arith.constant 0.000000e+00 : f32
        %max3A_257 = vector.broadcast %max3A_256 : f32 to vector<16xf32>
        %max3A_258 = arith.maximumf %add3A_255, %max3A_257 : vector<16xf32>
        %add3A_259 = arith.addf %max3A_258, %get3A_250 : vector<16xf32>
        %mul3A_260 = arith.constant 1000 : i32
        %mul3A_261 = vector.broadcast %mul3A_260 : i32 to vector<16xi32>
        %mul3A_262 = arith.muli %gather3A_253, %mul3A_261 : vector<16xi32>
        %add3A_263 = arith.addi %mul3A_262, %gather3A_254 : vector<16xi32>
        %masked_sort3A_264 = arith.constant dense<true> : vector<16xi1>
        %masked_sort3A_265, %masked_sort3A_266, %masked_sort3A_267 = tpu.sort %add3A_259, %add3A_263 masked %masked_sort3A_264 {descending = true} : (vector<16xf32>, vector<16xi32>, vector<16xi1>) -> (vector<16xi1>, vector<16xf32>, vector<16xi32>)
        %rev3A_268 = arith.constant 15 : i32
        %rev3A_269 = vector.broadcast %rev3A_268 : i32 to vector<16xi32>
        %rev3A_270 = tpu.iota {dimensions = array<i32: 0>} : vector<16xi32>
        %rev3A_271 = arith.subi %rev3A_269, %rev3A_270 : vector<16xi32>
        %rev3A_272 = tpu.dynamic_gather %masked_sort3A_266[%rev3A_271] in [0] : vector<16xf32>, vector<16xi32> -> vector<16xf32>
        %rev3A_273 = arith.constant 15 : i32
        %rev3A_274 = vector.broadcast %rev3A_273 : i32 to vector<16xi32>
        %rev3A_275 = tpu.iota {dimensions = array<i32: 0>} : vector<16xi32>
        %rev3A_276 = arith.subi %rev3A_274, %rev3A_275 : vector<16xi32>
        %rev3A_277 = tpu.dynamic_gather %masked_sort3A_267[%rev3A_276] in [0] : vector<16xi32>, vector<16xi32> -> vector<16xi32>
        %ge3A_278 = arith.cmpf oge, %masked_sort3A_243, %rev3A_272 : vector<16xf32>
        %select_n3A_279 = arith.select %ge3A_278, %masked_sort3A_243, %rev3A_272 : vector<16xi1>, vector<16xf32>
        %select_n3A_280 = arith.select %ge3A_278, %masked_sort3A_244, %rev3A_277 : vector<16xi1>, vector<16xi32>
        %select_n3A_281 = arith.select %ge3A_278, %rev3A_272, %masked_sort3A_243 : vector<16xi1>, vector<16xf32>
        %select_n3A_282 = arith.select %ge3A_278, %rev3A_277, %masked_sort3A_244 : vector<16xi1>, vector<16xi32>
        %masked_sort3A_283 = arith.constant dense<true> : vector<16xi1>
        %masked_sort3A_284, %masked_sort3A_285, %masked_sort3A_286 = tpu.sort %select_n3A_279, %select_n3A_280 masked %masked_sort3A_283 {descending = true} : (vector<16xf32>, vector<16xi32>, vector<16xi1>) -> (vector<16xi1>, vector<16xf32>, vector<16xi32>)
        %masked_sort3A_287 = arith.constant dense<true> : vector<16xi1>
        %masked_sort3A_288, %masked_sort3A_289, %masked_sort3A_290 = tpu.sort %select_n3A_281, %select_n3A_282 masked %masked_sort3A_287 {descending = true} : (vector<16xf32>, vector<16xi32>, vector<16xi1>) -> (vector<16xi1>, vector<16xf32>, vector<16xi32>)
        %get3A_291 = arith.constant 64 : index
        %get3A_292 = tpu.vector_load %arg15[%get3A_291] {strides = array<i32>} : memref<128xi32, #tpu.memory_space<vmem>>, vector<16xi32>,
        %get3A_293 = arith.constant 64 : index
        %get3A_294 = tpu.vector_load %arg16[%get3A_293] {strides = array<i32>} : memref<128xi32, #tpu.memory_space<vmem>>, vector<16xi32>,
        %get3A_295 = arith.constant 64 : index
        %get3A_296 = tpu.vector_load %arg17[%get3A_295] {strides = array<i32>} : memref<128xf32, #tpu.memory_space<vmem>>, vector<16xf32>,
        %gather3A_297 = tpu.vector_load_idx %arg13[%get3A_292] : memref<64xf32, #tpu.memory_space<vmem>>[vector<16xi32>], vector<16xf32>,
        %gather3A_298 = tpu.vector_load_idx %arg13[%get3A_294] : memref<64xf32, #tpu.memory_space<vmem>>[vector<16xi32>], vector<16xf32>,
        %gather3A_299 = tpu.vector_load_idx %arg14[%get3A_292] : memref<64xi32, #tpu.memory_space<vmem>>[vector<16xi32>], vector<16xi32>,
        %gather3A_300 = tpu.vector_load_idx %arg14[%get3A_294] : memref<64xi32, #tpu.memory_space<vmem>>[vector<16xi32>], vector<16xi32>,
        %add3A_301 = arith.addf %gather3A_297, %gather3A_298 : vector<16xf32>
        %max3A_302 = arith.constant 0.000000e+00 : f32
        %max3A_303 = vector.broadcast %max3A_302 : f32 to vector<16xf32>
        %max3A_304 = arith.maximumf %add3A_301, %max3A_303 : vector<16xf32>
        %add3A_305 = arith.addf %max3A_304, %get3A_296 : vector<16xf32>
        %mul3A_306 = arith.constant 1000 : i32
        %mul3A_307 = vector.broadcast %mul3A_306 : i32 to vector<16xi32>
        %mul3A_308 = arith.muli %gather3A_299, %mul3A_307 : vector<16xi32>
        %add3A_309 = arith.addi %mul3A_308, %gather3A_300 : vector<16xi32>
        %masked_sort3A_310 = arith.constant dense<true> : vector<16xi1>
        %masked_sort3A_311, %masked_sort3A_312, %masked_sort3A_313 = tpu.sort %add3A_305, %add3A_309 masked %masked_sort3A_310 {descending = true} : (vector<16xf32>, vector<16xi32>, vector<16xi1>) -> (vector<16xi1>, vector<16xf32>, vector<16xi32>)
        %get3A_314 = arith.constant 80 : index
        %get3A_315 = tpu.vector_load %arg15[%get3A_314] {strides = array<i32>} : memref<128xi32, #tpu.memory_space<vmem>>, vector<16xi32>,
        %get3A_316 = arith.constant 80 : index
        %get3A_317 = tpu.vector_load %arg16[%get3A_316] {strides = array<i32>} : memref<128xi32, #tpu.memory_space<vmem>>, vector<16xi32>,
        %get3A_318 = arith.constant 80 : index
        %get3A_319 = tpu.vector_load %arg17[%get3A_318] {strides = array<i32>} : memref<128xf32, #tpu.memory_space<vmem>>, vector<16xf32>,
        %gather3A_320 = tpu.vector_load_idx %arg13[%get3A_315] : memref<64xf32, #tpu.memory_space<vmem>>[vector<16xi32>], vector<16xf32>,
        %gather3A_321 = tpu.vector_load_idx %arg13[%get3A_317] : memref<64xf32, #tpu.memory_space<vmem>>[vector<16xi32>], vector<16xf32>,
        %gather3A_322 = tpu.vector_load_idx %arg14[%get3A_315] : memref<64xi32, #tpu.memory_space<vmem>>[vector<16xi32>], vector<16xi32>,
        %gather3A_323 = tpu.vector_load_idx %arg14[%get3A_317] : memref<64xi32, #tpu.memory_space<vmem>>[vector<16xi32>], vector<16xi32>,
        %add3A_324 = arith.addf %gather3A_320, %gather3A_321 : vector<16xf32>
        %max3A_325 = arith.constant 0.000000e+00 : f32
        %max3A_326 = vector.broadcast %max3A_325 : f32 to vector<16xf32>
        %max3A_327 = arith.maximumf %add3A_324, %max3A_326 : vector<16xf32>
        %add3A_328 = arith.addf %max3A_327, %get3A_319 : vector<16xf32>
        %mul3A_329 = arith.constant 1000 : i32
        %mul3A_330 = vector.broadcast %mul3A_329 : i32 to vector<16xi32>
        %mul3A_331 = arith.muli %gather3A_322, %mul3A_330 : vector<16xi32>
        %add3A_332 = arith.addi %mul3A_331, %gather3A_323 : vector<16xi32>
        %masked_sort3A_333 = arith.constant dense<true> : vector<16xi1>
        %masked_sort3A_334, %masked_sort3A_335, %masked_sort3A_336 = tpu.sort %add3A_328, %add3A_332 masked %masked_sort3A_333 {descending = true} : (vector<16xf32>, vector<16xi32>, vector<16xi1>) -> (vector<16xi1>, vector<16xf32>, vector<16xi32>)
        %rev3A_337 = arith.constant 15 : i32
        %rev3A_338 = vector.broadcast %rev3A_337 : i32 to vector<16xi32>
        %rev3A_339 = tpu.iota {dimensions = array<i32: 0>} : vector<16xi32>
        %rev3A_340 = arith.subi %rev3A_338, %rev3A_339 : vector<16xi32>
        %rev3A_341 = tpu.dynamic_gather %masked_sort3A_335[%rev3A_340] in [0] : vector<16xf32>, vector<16xi32> -> vector<16xf32>
        %rev3A_342 = arith.constant 15 : i32
        %rev3A_343 = vector.broadcast %rev3A_342 : i32 to vector<16xi32>
        %rev3A_344 = tpu.iota {dimensions = array<i32: 0>} : vector<16xi32>
        %rev3A_345 = arith.subi %rev3A_343, %rev3A_344 : vector<16xi32>
        %rev3A_346 = tpu.dynamic_gather %masked_sort3A_336[%rev3A_345] in [0] : vector<16xi32>, vector<16xi32> -> vector<16xi32>
        %ge3A_347 = arith.cmpf oge, %masked_sort3A_312, %rev3A_341 : vector<16xf32>
        %select_n3A_348 = arith.select %ge3A_347, %masked_sort3A_312, %rev3A_341 : vector<16xi1>, vector<16xf32>
        %select_n3A_349 = arith.select %ge3A_347, %masked_sort3A_313, %rev3A_346 : vector<16xi1>, vector<16xi32>
        %select_n3A_350 = arith.select %ge3A_347, %rev3A_341, %masked_sort3A_312 : vector<16xi1>, vector<16xf32>
        %select_n3A_351 = arith.select %ge3A_347, %rev3A_346, %masked_sort3A_313 : vector<16xi1>, vector<16xi32>
        %masked_sort3A_352 = arith.constant dense<true> : vector<16xi1>
        %masked_sort3A_353, %masked_sort3A_354, %masked_sort3A_355 = tpu.sort %select_n3A_348, %select_n3A_349 masked %masked_sort3A_352 {descending = true} : (vector<16xf32>, vector<16xi32>, vector<16xi1>) -> (vector<16xi1>, vector<16xf32>, vector<16xi32>)
        %masked_sort3A_356 = arith.constant dense<true> : vector<16xi1>
        %masked_sort3A_357, %masked_sort3A_358, %masked_sort3A_359 = tpu.sort %select_n3A_350, %select_n3A_351 masked %masked_sort3A_356 {descending = true} : (vector<16xf32>, vector<16xi32>, vector<16xi1>) -> (vector<16xi1>, vector<16xf32>, vector<16xi32>)
        %get3A_360 = arith.constant 96 : index
        %get3A_361 = tpu.vector_load %arg15[%get3A_360] {strides = array<i32>} : memref<128xi32, #tpu.memory_space<vmem>>, vector<16xi32>,
        %get3A_362 = arith.constant 96 : index
        %get3A_363 = tpu.vector_load %arg16[%get3A_362] {strides = array<i32>} : memref<128xi32, #tpu.memory_space<vmem>>, vector<16xi32>,
        %get3A_364 = arith.constant 96 : index
        %get3A_365 = tpu.vector_load %arg17[%get3A_364] {strides = array<i32>} : memref<128xf32, #tpu.memory_space<vmem>>, vector<16xf32>,
        %gather3A_366 = tpu.vector_load_idx %arg13[%get3A_361] : memref<64xf32, #tpu.memory_space<vmem>>[vector<16xi32>], vector<16xf32>,
        %gather3A_367 = tpu.vector_load_idx %arg13[%get3A_363] : memref<64xf32, #tpu.memory_space<vmem>>[vector<16xi32>], vector<16xf32>,
        %gather3A_368 = tpu.vector_load_idx %arg14[%get3A_361] : memref<64xi32, #tpu.memory_space<vmem>>[vector<16xi32>], vector<16xi32>,
        %gather3A_369 = tpu.vector_load_idx %arg14[%get3A_363] : memref<64xi32, #tpu.memory_space<vmem>>[vector<16xi32>], vector<16xi32>,
        %add3A_370 = arith.addf %gather3A_366, %gather3A_367 : vector<16xf32>
        %max3A_371 = arith.constant 0.000000e+00 : f32
        %max3A_372 = vector.broadcast %max3A_371 : f32 to vector<16xf32>
        %max3A_373 = arith.maximumf %add3A_370, %max3A_372 : vector<16xf32>
        %add3A_374 = arith.addf %max3A_373, %get3A_365 : vector<16xf32>
        %mul3A_375 = arith.constant 1000 : i32
        %mul3A_376 = vector.broadcast %mul3A_375 : i32 to vector<16xi32>
        %mul3A_377 = arith.muli %gather3A_368, %mul3A_376 : vector<16xi32>
        %add3A_378 = arith.addi %mul3A_377, %gather3A_369 : vector<16xi32>
        %masked_sort3A_379 = arith.constant dense<true> : vector<16xi1>
        %masked_sort3A_380, %masked_sort3A_381, %masked_sort3A_382 = tpu.sort %add3A_374, %add3A_378 masked %masked_sort3A_379 {descending = true} : (vector<16xf32>, vector<16xi32>, vector<16xi1>) -> (vector<16xi1>, vector<16xf32>, vector<16xi32>)
        %get3A_383 = arith.constant 112 : index
        %get3A_384 = tpu.vector_load %arg15[%get3A_383] {strides = array<i32>} : memref<128xi32, #tpu.memory_space<vmem>>, vector<16xi32>,
        %get3A_385 = arith.constant 112 : index
        %get3A_386 = tpu.vector_load %arg16[%get3A_385] {strides = array<i32>} : memref<128xi32, #tpu.memory_space<vmem>>, vector<16xi32>,
        %get3A_387 = arith.constant 112 : index
        %get3A_388 = tpu.vector_load %arg17[%get3A_387] {strides = array<i32>} : memref<128xf32, #tpu.memory_space<vmem>>, vector<16xf32>,
        %gather3A_389 = tpu.vector_load_idx %arg13[%get3A_384] : memref<64xf32, #tpu.memory_space<vmem>>[vector<16xi32>], vector<16xf32>,
        %gather3A_390 = tpu.vector_load_idx %arg13[%get3A_386] : memref<64xf32, #tpu.memory_space<vmem>>[vector<16xi32>], vector<16xf32>,
        %gather3A_391 = tpu.vector_load_idx %arg14[%get3A_384] : memref<64xi32, #tpu.memory_space<vmem>>[vector<16xi32>], vector<16xi32>,
        %gather3A_392 = tpu.vector_load_idx %arg14[%get3A_386] : memref<64xi32, #tpu.memory_space<vmem>>[vector<16xi32>], vector<16xi32>,
        %add3A_393 = arith.addf %gather3A_389, %gather3A_390 : vector<16xf32>
        %max3A_394 = arith.constant 0.000000e+00 : f32
        %max3A_395 = vector.broadcast %max3A_394 : f32 to vector<16xf32>
        %max3A_396 = arith.maximumf %add3A_393, %max3A_395 : vector<16xf32>
        %add3A_397 = arith.addf %max3A_396, %get3A_388 : vector<16xf32>
        %mul3A_398 = arith.constant 1000 : i32
        %mul3A_399 = vector.broadcast %mul3A_398 : i32 to vector<16xi32>
        %mul3A_400 = arith.muli %gather3A_391, %mul3A_399 : vector<16xi32>
        %add3A_401 = arith.addi %mul3A_400, %gather3A_392 : vector<16xi32>
        %masked_sort3A_402 = arith.constant dense<true> : vector<16xi1>
        %masked_sort3A_403, %masked_sort3A_404, %masked_sort3A_405 = tpu.sort %add3A_397, %add3A_401 masked %masked_sort3A_402 {descending = true} : (vector<16xf32>, vector<16xi32>, vector<16xi1>) -> (vector<16xi1>, vector<16xf32>, vector<16xi32>)
        %rev3A_406 = arith.constant 15 : i32
        %rev3A_407 = vector.broadcast %rev3A_406 : i32 to vector<16xi32>
        %rev3A_408 = tpu.iota {dimensions = array<i32: 0>} : vector<16xi32>
        %rev3A_409 = arith.subi %rev3A_407, %rev3A_408 : vector<16xi32>
        %rev3A_410 = tpu.dynamic_gather %masked_sort3A_404[%rev3A_409] in [0] : vector<16xf32>, vector<16xi32> -> vector<16xf32>
        %rev3A_411 = arith.constant 15 : i32
        %rev3A_412 = vector.broadcast %rev3A_411 : i32 to vector<16xi32>
        %rev3A_413 = tpu.iota {dimensions = array<i32: 0>} : vector<16xi32>
        %rev3A_414 = arith.subi %rev3A_412, %rev3A_413 : vector<16xi32>
        %rev3A_415 = tpu.dynamic_gather %masked_sort3A_405[%rev3A_414] in [0] : vector<16xi32>, vector<16xi32> -> vector<16xi32>
        %ge3A_416 = arith.cmpf oge, %masked_sort3A_381, %rev3A_410 : vector<16xf32>
        %select_n3A_417 = arith.select %ge3A_416, %masked_sort3A_381, %rev3A_410 : vector<16xi1>, vector<16xf32>
        %select_n3A_418 = arith.select %ge3A_416, %masked_sort3A_382, %rev3A_415 : vector<16xi1>, vector<16xi32>
        %select_n3A_419 = arith.select %ge3A_416, %rev3A_410, %masked_sort3A_381 : vector<16xi1>, vector<16xf32>
        %select_n3A_420 = arith.select %ge3A_416, %rev3A_415, %masked_sort3A_382 : vector<16xi1>, vector<16xi32>
        %masked_sort3A_421 = arith.constant dense<true> : vector<16xi1>
        %masked_sort3A_422, %masked_sort3A_423, %masked_sort3A_424 = tpu.sort %select_n3A_417, %select_n3A_418 masked %masked_sort3A_421 {descending = true} : (vector<16xf32>, vector<16xi32>, vector<16xi1>) -> (vector<16xi1>, vector<16xf32>, vector<16xi32>)
        %masked_sort3A_425 = arith.constant dense<true> : vector<16xi1>
        %masked_sort3A_426, %masked_sort3A_427, %masked_sort3A_428 = tpu.sort %select_n3A_419, %select_n3A_420 masked %masked_sort3A_425 {descending = true} : (vector<16xf32>, vector<16xi32>, vector<16xi1>) -> (vector<16xi1>, vector<16xf32>, vector<16xi32>)
        %rev3A_429 = arith.constant 15 : i32
        %rev3A_430 = vector.broadcast %rev3A_429 : i32 to vector<16xi32>
        %rev3A_431 = tpu.iota {dimensions = array<i32: 0>} : vector<16xi32>
        %rev3A_432 = arith.subi %rev3A_430, %rev3A_431 : vector<16xi32>
        %rev3A_433 = tpu.dynamic_gather %masked_sort3A_289[%rev3A_432] in [0] : vector<16xf32>, vector<16xi32> -> vector<16xf32>
        %rev3A_434 = arith.constant 15 : i32
        %rev3A_435 = vector.broadcast %rev3A_434 : i32 to vector<16xi32>
        %rev3A_436 = tpu.iota {dimensions = array<i32: 0>} : vector<16xi32>
        %rev3A_437 = arith.subi %rev3A_435, %rev3A_436 : vector<16xi32>
        %rev3A_438 = tpu.dynamic_gather %masked_sort3A_290[%rev3A_437] in [0] : vector<16xi32>, vector<16xi32> -> vector<16xi32>
        %ge3A_439 = arith.cmpf oge, %masked_sort3A_216, %rev3A_433 : vector<16xf32>
        %select_n3A_440 = arith.select %ge3A_439, %masked_sort3A_216, %rev3A_433 : vector<16xi1>, vector<16xf32>
        %select_n3A_441 = arith.select %ge3A_439, %masked_sort3A_217, %rev3A_438 : vector<16xi1>, vector<16xi32>
        %select_n3A_442 = arith.select %ge3A_439, %rev3A_433, %masked_sort3A_216 : vector<16xi1>, vector<16xf32>
        %select_n3A_443 = arith.select %ge3A_439, %rev3A_438, %masked_sort3A_217 : vector<16xi1>, vector<16xi32>
        %rev3A_444 = arith.constant 15 : i32
        %rev3A_445 = vector.broadcast %rev3A_444 : i32 to vector<16xi32>
        %rev3A_446 = tpu.iota {dimensions = array<i32: 0>} : vector<16xi32>
        %rev3A_447 = arith.subi %rev3A_445, %rev3A_446 : vector<16xi32>
        %rev3A_448 = tpu.dynamic_gather %masked_sort3A_285[%rev3A_447] in [0] : vector<16xf32>, vector<16xi32> -> vector<16xf32>
        %rev3A_449 = arith.constant 15 : i32
        %rev3A_450 = vector.broadcast %rev3A_449 : i32 to vector<16xi32>
        %rev3A_451 = tpu.iota {dimensions = array<i32: 0>} : vector<16xi32>
        %rev3A_452 = arith.subi %rev3A_450, %rev3A_451 : vector<16xi32>
        %rev3A_453 = tpu.dynamic_gather %masked_sort3A_286[%rev3A_452] in [0] : vector<16xi32>, vector<16xi32> -> vector<16xi32>
        %ge3A_454 = arith.cmpf oge, %masked_sort3A_220, %rev3A_448 : vector<16xf32>
        %select_n3A_455 = arith.select %ge3A_454, %masked_sort3A_220, %rev3A_448 : vector<16xi1>, vector<16xf32>
        %select_n3A_456 = arith.select %ge3A_454, %masked_sort3A_221, %rev3A_453 : vector<16xi1>, vector<16xi32>
        %select_n3A_457 = arith.select %ge3A_454, %rev3A_448, %masked_sort3A_220 : vector<16xi1>, vector<16xf32>
        %select_n3A_458 = arith.select %ge3A_454, %rev3A_453, %masked_sort3A_221 : vector<16xi1>, vector<16xi32>
        %ge3A_459 = arith.cmpf oge, %select_n3A_440, %select_n3A_455 : vector<16xf32>
        %select_n3A_460 = arith.select %ge3A_459, %select_n3A_440, %select_n3A_455 : vector<16xi1>, vector<16xf32>
        %select_n3A_461 = arith.select %ge3A_459, %select_n3A_441, %select_n3A_456 : vector<16xi1>, vector<16xi32>
        %select_n3A_462 = arith.select %ge3A_459, %select_n3A_455, %select_n3A_440 : vector<16xi1>, vector<16xf32>
        %select_n3A_463 = arith.select %ge3A_459, %select_n3A_456, %select_n3A_441 : vector<16xi1>, vector<16xi32>
        %masked_sort3A_464 = arith.constant dense<true> : vector<16xi1>
        %masked_sort3A_465, %masked_sort3A_466, %masked_sort3A_467 = tpu.sort %select_n3A_460, %select_n3A_461 masked %masked_sort3A_464 {descending = true} : (vector<16xf32>, vector<16xi32>, vector<16xi1>) -> (vector<16xi1>, vector<16xf32>, vector<16xi32>)
        %masked_sort3A_468 = arith.constant dense<true> : vector<16xi1>
        %masked_sort3A_469, %masked_sort3A_470, %masked_sort3A_471 = tpu.sort %select_n3A_462, %select_n3A_463 masked %masked_sort3A_468 {descending = true} : (vector<16xf32>, vector<16xi32>, vector<16xi1>) -> (vector<16xi1>, vector<16xf32>, vector<16xi32>)
        %rev3A_472 = arith.constant 15 : i32
        %rev3A_473 = vector.broadcast %rev3A_472 : i32 to vector<16xi32>
        %rev3A_474 = tpu.iota {dimensions = array<i32: 0>} : vector<16xi32>
        %rev3A_475 = arith.subi %rev3A_473, %rev3A_474 : vector<16xi32>
        %rev3A_476 = tpu.dynamic_gather %masked_sort3A_427[%rev3A_475] in [0] : vector<16xf32>, vector<16xi32> -> vector<16xf32>
        %rev3A_477 = arith.constant 15 : i32
        %rev3A_478 = vector.broadcast %rev3A_477 : i32 to vector<16xi32>
        %rev3A_479 = tpu.iota {dimensions = array<i32: 0>} : vector<16xi32>
        %rev3A_480 = arith.subi %rev3A_478, %rev3A_479 : vector<16xi32>
        %rev3A_481 = tpu.dynamic_gather %masked_sort3A_428[%rev3A_480] in [0] : vector<16xi32>, vector<16xi32> -> vector<16xi32>
        %ge3A_482 = arith.cmpf oge, %masked_sort3A_354, %rev3A_476 : vector<16xf32>
        %select_n3A_483 = arith.select %ge3A_482, %masked_sort3A_354, %rev3A_476 : vector<16xi1>, vector<16xf32>
        %select_n3A_484 = arith.select %ge3A_482, %masked_sort3A_355, %rev3A_481 : vector<16xi1>, vector<16xi32>
        %select_n3A_485 = arith.select %ge3A_482, %rev3A_476, %masked_sort3A_354 : vector<16xi1>, vector<16xf32>
        %select_n3A_486 = arith.select %ge3A_482, %rev3A_481, %masked_sort3A_355 : vector<16xi1>, vector<16xi32>
        %rev3A_487 = arith.constant 15 : i32
        %rev3A_488 = vector.broadcast %rev3A_487 : i32 to vector<16xi32>
        %rev3A_489 = tpu.iota {dimensions = array<i32: 0>} : vector<16xi32>
        %rev3A_490 = arith.subi %rev3A_488, %rev3A_489 : vector<16xi32>
        %rev3A_491 = tpu.dynamic_gather %masked_sort3A_423[%rev3A_490] in [0] : vector<16xf32>, vector<16xi32> -> vector<16xf32>
        %rev3A_492 = arith.constant 15 : i32
        %rev3A_493 = vector.broadcast %rev3A_492 : i32 to vector<16xi32>
        %rev3A_494 = tpu.iota {dimensions = array<i32: 0>} : vector<16xi32>
        %rev3A_495 = arith.subi %rev3A_493, %rev3A_494 : vector<16xi32>
        %rev3A_496 = tpu.dynamic_gather %masked_sort3A_424[%rev3A_495] in [0] : vector<16xi32>, vector<16xi32> -> vector<16xi32>
        %ge3A_497 = arith.cmpf oge, %masked_sort3A_358, %rev3A_491 : vector<16xf32>
        %select_n3A_498 = arith.select %ge3A_497, %masked_sort3A_358, %rev3A_491 : vector<16xi1>, vector<16xf32>
        %select_n3A_499 = arith.select %ge3A_497, %masked_sort3A_359, %rev3A_496 : vector<16xi1>, vector<16xi32>
        %select_n3A_500 = arith.select %ge3A_497, %rev3A_491, %masked_sort3A_358 : vector<16xi1>, vector<16xf32>
        %select_n3A_501 = arith.select %ge3A_497, %rev3A_496, %masked_sort3A_359 : vector<16xi1>, vector<16xi32>
        %ge3A_502 = arith.cmpf oge, %select_n3A_483, %select_n3A_498 : vector<16xf32>
        %select_n3A_503 = arith.select %ge3A_502, %select_n3A_483, %select_n3A_498 : vector<16xi1>, vector<16xf32>
        %select_n3A_504 = arith.select %ge3A_502, %select_n3A_484, %select_n3A_499 : vector<16xi1>, vector<16xi32>
        %select_n3A_505 = arith.select %ge3A_502, %select_n3A_498, %select_n3A_483 : vector<16xi1>, vector<16xf32>
        %select_n3A_506 = arith.select %ge3A_502, %select_n3A_499, %select_n3A_484 : vector<16xi1>, vector<16xi32>
        %masked_sort3A_507 = arith.constant dense<true> : vector<16xi1>
        %masked_sort3A_508, %masked_sort3A_509, %masked_sort3A_510 = tpu.sort %select_n3A_503, %select_n3A_504 masked %masked_sort3A_507 {descending = true} : (vector<16xf32>, vector<16xi32>, vector<16xi1>) -> (vector<16xi1>, vector<16xf32>, vector<16xi32>)
        %masked_sort3A_511 = arith.constant dense<true> : vector<16xi1>
        %masked_sort3A_512, %masked_sort3A_513, %masked_sort3A_514 = tpu.sort %select_n3A_505, %select_n3A_506 masked %masked_sort3A_511 {descending = true} : (vector<16xf32>, vector<16xi32>, vector<16xi1>) -> (vector<16xi1>, vector<16xf32>, vector<16xi32>)
        %rev3A_515 = arith.constant 15 : i32
        %rev3A_516 = vector.broadcast %rev3A_515 : i32 to vector<16xi32>
        %rev3A_517 = tpu.iota {dimensions = array<i32: 0>} : vector<16xi32>
        %rev3A_518 = arith.subi %rev3A_516, %rev3A_517 : vector<16xi32>
        %rev3A_519 = tpu.dynamic_gather %masked_sort3A_513[%rev3A_518] in [0] : vector<16xf32>, vector<16xi32> -> vector<16xf32>
        %rev3A_520 = arith.constant 15 : i32
        %rev3A_521 = vector.broadcast %rev3A_520 : i32 to vector<16xi32>
        %rev3A_522 = tpu.iota {dimensions = array<i32: 0>} : vector<16xi32>
        %rev3A_523 = arith.subi %rev3A_521, %rev3A_522 : vector<16xi32>
        %rev3A_524 = tpu.dynamic_gather %masked_sort3A_514[%rev3A_523] in [0] : vector<16xi32>, vector<16xi32> -> vector<16xi32>
        %ge3A_525 = arith.cmpf oge, %masked_sort3A_466, %rev3A_519 : vector<16xf32>
        %select_n3A_526 = arith.select %ge3A_525, %masked_sort3A_466, %rev3A_519 : vector<16xi1>, vector<16xf32>
        %select_n3A_527 = arith.select %ge3A_525, %masked_sort3A_467, %rev3A_524 : vector<16xi1>, vector<16xi32>
        %select_n3A_528 = arith.select %ge3A_525, %rev3A_519, %masked_sort3A_466 : vector<16xi1>, vector<16xf32>
        %select_n3A_529 = arith.select %ge3A_525, %rev3A_524, %masked_sort3A_467 : vector<16xi1>, vector<16xi32>
        %rev3A_530 = arith.constant 15 : i32
        %rev3A_531 = vector.broadcast %rev3A_530 : i32 to vector<16xi32>
        %rev3A_532 = tpu.iota {dimensions = array<i32: 0>} : vector<16xi32>
        %rev3A_533 = arith.subi %rev3A_531, %rev3A_532 : vector<16xi32>
        %rev3A_534 = tpu.dynamic_gather %masked_sort3A_509[%rev3A_533] in [0] : vector<16xf32>, vector<16xi32> -> vector<16xf32>
        %rev3A_535 = arith.constant 15 : i32
        %rev3A_536 = vector.broadcast %rev3A_535 : i32 to vector<16xi32>
        %rev3A_537 = tpu.iota {dimensions = array<i32: 0>} : vector<16xi32>
        %rev3A_538 = arith.subi %rev3A_536, %rev3A_537 : vector<16xi32>
        %rev3A_539 = tpu.dynamic_gather %masked_sort3A_510[%rev3A_538] in [0] : vector<16xi32>, vector<16xi32> -> vector<16xi32>
        %ge3A_540 = arith.cmpf oge, %masked_sort3A_470, %rev3A_534 : vector<16xf32>
        %select_n3A_541 = arith.select %ge3A_540, %masked_sort3A_470, %rev3A_534 : vector<16xi1>, vector<16xf32>
        %select_n3A_542 = arith.select %ge3A_540, %masked_sort3A_471, %rev3A_539 : vector<16xi1>, vector<16xi32>
        %select_n3A_543 = arith.select %ge3A_540, %rev3A_534, %masked_sort3A_470 : vector<16xi1>, vector<16xf32>
        %select_n3A_544 = arith.select %ge3A_540, %rev3A_539, %masked_sort3A_471 : vector<16xi1>, vector<16xi32>
        %ge3A_545 = arith.cmpf oge, %select_n3A_526, %select_n3A_541 : vector<16xf32>
        %select_n3A_546 = arith.select %ge3A_545, %select_n3A_526, %select_n3A_541 : vector<16xi1>, vector<16xf32>
        %select_n3A_547 = arith.select %ge3A_545, %select_n3A_527, %select_n3A_542 : vector<16xi1>, vector<16xi32>
        %select_n3A_548 = arith.select %ge3A_545, %select_n3A_541, %select_n3A_526 : vector<16xi1>, vector<16xf32>
        %select_n3A_549 = arith.select %ge3A_545, %select_n3A_542, %select_n3A_527 : vector<16xi1>, vector<16xi32>
        %masked_sort3A_550 = arith.constant dense<true> : vector<16xi1>
        %masked_sort3A_551, %masked_sort3A_552, %masked_sort3A_553 = tpu.sort %select_n3A_546, %select_n3A_547 masked %masked_sort3A_550 {descending = true} : (vector<16xf32>, vector<16xi32>, vector<16xi1>) -> (vector<16xi1>, vector<16xf32>, vector<16xi32>)
        %masked_sort3A_554 = arith.constant dense<true> : vector<16xi1>
        %masked_sort3A_555, %masked_sort3A_556, %masked_sort3A_557 = tpu.sort %select_n3A_548, %select_n3A_549 masked %masked_sort3A_554 {descending = true} : (vector<16xf32>, vector<16xi32>, vector<16xi1>) -> (vector<16xi1>, vector<16xf32>, vector<16xi32>)
        %mul3A_558 = arith.constant 32 : i32
        %mul3A_559 = arith.muli %add3A_38, %mul3A_558 : i32
        %swap3A_560 = arith.index_cast %mul3A_559 : i32 to index
        %swap3A_561 = tpu.vector_load %arg18[%swap3A_560] {strides = array<i32>} : memref<8192xf32, #tpu.memory_space<vmem>>, vector<16xf32>,
        tpu.vector_store %arg18[%swap3A_560], %masked_sort3A_552 {strides = array<i32>} : memref<8192xf32, #tpu.memory_space<vmem>>, vector<16xf32>,
        %add3A_562 = arith.constant 16 : i32
        %add3A_563 = arith.addi %mul3A_559, %add3A_562 : i32
        %swap3A_564 = arith.index_cast %add3A_563 : i32 to index
        %swap3A_565 = tpu.vector_load %arg18[%swap3A_564] {strides = array<i32>} : memref<8192xf32, #tpu.memory_space<vmem>>, vector<16xf32>,
        tpu.vector_store %arg18[%swap3A_564], %masked_sort3A_556 {strides = array<i32>} : memref<8192xf32, #tpu.memory_space<vmem>>, vector<16xf32>,
        %swap3A_566 = arith.index_cast %mul3A_559 : i32 to index
        %swap3A_567 = tpu.vector_load %arg19[%swap3A_566] {strides = array<i32>} : memref<8192xi32, #tpu.memory_space<vmem>>, vector<16xi32>,
        tpu.vector_store %arg19[%swap3A_566], %masked_sort3A_553 {strides = array<i32>} : memref<8192xi32, #tpu.memory_space<vmem>>, vector<16xi32>,
        %add3A_568 = arith.constant 16 : i32
        %add3A_569 = arith.addi %mul3A_559, %add3A_568 : i32
        %swap3A_570 = arith.index_cast %add3A_569 : i32 to index
        %swap3A_571 = tpu.vector_load %arg19[%swap3A_570] {strides = array<i32>} : memref<8192xi32, #tpu.memory_space<vmem>>, vector<16xi32>,
        tpu.vector_store %arg19[%swap3A_570], %masked_sort3A_557 {strides = array<i32>} : memref<8192xi32, #tpu.memory_space<vmem>>, vector<16xi32>,
        %scan3A_572 = arith.constant 0 : i32
        scf.yield %scan3A_572 : i32
      }
      %scan3A_32 = arith.constant 32 : i32
      %scan3A_33 = arith.constant 0 : i32
      scf.yield %scan3A_33 : i32
    }
    %scan3A_11 = arith.constant 8 : i32
    %mul3A_12 = arith.constant 32 : i32
    %mul3A_13 = arith.muli %mul3A_2, %mul3A_12 : i32
    "tpu.region"() ({
      %run_scoped3A = tpu.sem_alloc : memref<!tpu.dma_semaphore, #tpu.memory_space<semaphore_mem>>
      %dma_start3A = tpu.memref_slice %arg7[%mul3A_13] : memref<262144xf32, #tpu.memory_space<hbm>> -> memref<8192xf32, #tpu.memory_space<hbm>>
      %dma_start3A_16 = tpu.memref_slice %arg7[%mul3A_13] : memref<262144xf32, #tpu.memory_space<hbm>> -> memref<8192xf32, #tpu.memory_space<hbm>>
      tpu.enqueue_dma source(%arg18 : memref<8192xf32, #tpu.memory_space<vmem>>) target(%dma_start3A_16 : memref<8192xf32, #tpu.memory_space<hbm>>) target_semaphore(%run_scoped3A : memref<!tpu.dma_semaphore, #tpu.memory_space<semaphore_mem>>)
      %dma_wait3A = tpu.memref_slice %arg7[%mul3A_13] : memref<262144xf32, #tpu.memory_space<hbm>> -> memref<8192xf32, #tpu.memory_space<hbm>>
      %dma_wait3A_17 = tpu.memref_slice %arg7[%mul3A_13] : memref<262144xf32, #tpu.memory_space<hbm>> -> memref<8192xf32, #tpu.memory_space<hbm>>
      tpu.wait_dma2 semaphore(%run_scoped3A : memref<!tpu.dma_semaphore, #tpu.memory_space<semaphore_mem>>) src(%arg18 : memref<8192xf32, #tpu.memory_space<vmem>>) dst(%dma_wait3A_17 : memref<8192xf32, #tpu.memory_space<hbm>>)
      tpu.yield
    }) : () -> ()
    %mul3A_14 = arith.constant 32 : i32
    %mul3A_15 = arith.muli %mul3A_2, %mul3A_14 : i32
    "tpu.region"() ({
      %run_scoped3A = tpu.sem_alloc : memref<!tpu.dma_semaphore, #tpu.memory_space<semaphore_mem>>
      %dma_start3A = tpu.memref_slice %arg8[%mul3A_15] : memref<262144xi32, #tpu.memory_space<hbm>> -> memref<8192xi32, #tpu.memory_space<hbm>>
      %dma_start3A_16 = tpu.memref_slice %arg8[%mul3A_15] : memref<262144xi32, #tpu.memory_space<hbm>> -> memref<8192xi32, #tpu.memory_space<hbm>>
      tpu.enqueue_dma source(%arg19 : memref<8192xi32, #tpu.memory_space<vmem>>) target(%dma_start3A_16 : memref<8192xi32, #tpu.memory_space<hbm>>) target_semaphore(%run_scoped3A : memref<!tpu.dma_semaphore, #tpu.memory_space<semaphore_mem>>)
      %dma_wait3A = tpu.memref_slice %arg8[%mul3A_15] : memref<262144xi32, #tpu.memory_space<hbm>> -> memref<8192xi32, #tpu.memory_space<hbm>>
      %dma_wait3A_17 = tpu.memref_slice %arg8[%mul3A_15] : memref<262144xi32, #tpu.memory_space<hbm>> -> memref<8192xi32, #tpu.memory_space<hbm>>
      tpu.wait_dma2 semaphore(%run_scoped3A : memref<!tpu.dma_semaphore, #tpu.memory_space<semaphore_mem>>) src(%arg19 : memref<8192xi32, #tpu.memory_space<vmem>>) dst(%dma_wait3A_17 : memref<8192xi32, #tpu.memory_space<hbm>>)
      tpu.yield
    }) : () -> ()
    return
  }
}

module attributes {stable_mosaic.version = 14 : i64} {
  func.func @_mm_body(%arg0: i32, %arg1: memref<512x2048xf32, #tpu.memory_space<vmem>>, %arg2: memref<2048x2048xf32, #tpu.memory_space<vmem>>, %arg3: memref<1x2048xf32, #tpu.memory_space<vmem>>, %arg4: memref<512x2048xf32, #tpu.memory_space<vmem>>, %arg5: memref<512x2xf32, #tpu.memory_space<vmem>>) attributes {dimension_semantics = [#tpu.dimension_semantics<parallel>], iteration_bounds = array<i64: 16>, scalar_prefetch = 0 : i64, scratch_operands = 0 : i64, tpu.core_type = #tpu.core_type<tc>, window_params = [{transform_indices = @transform_0, window_bounds = array<i64: 512, 2048>}, {pipeline_mode = #tpu.pipeline_mode<synchronous>, transform_indices = @transform_1, window_bounds = array<i64: 2048, 2048>}, {pipeline_mode = #tpu.pipeline_mode<synchronous>, transform_indices = @transform_2, window_bounds = array<i64: 1, 2048>}, {transform_indices = @transform_3, window_bounds = array<i64: 512, 2048>}, {transform_indices = @transform_4, window_bounds = array<i64: 512, 2>}]} {
    %get3A = arith.constant 0 : index
    %get3A_0 = arith.constant 0 : index
    %get3A_1 = vector.load %arg1[%get3A, %get3A_0] : memref<512x2048xf32, #tpu.memory_space<vmem>>, vector<512x2048xf32>
    %get3A_2 = arith.constant 0 : index
    %get3A_3 = arith.constant 0 : index
    %get3A_4 = vector.load %arg2[%get3A_2, %get3A_3] : memref<2048x2048xf32, #tpu.memory_space<vmem>>, vector<2048x2048xf32>
    %dot_general3A = arith.constant dense<0.000000e+00> : vector<512x2048xf32>
    %dot_general3A_5 = tpu.matmul %get3A_1, %get3A_4, %dot_general3A {dimension_numbers = #tpu.dot_dimension_numbers<[1], [0], [0], [1], [0, 0, 1, 1], [], []>, transpose_lhs_hint = false} : vector<512x2048xf32>, vector<2048x2048xf32>, vector<512x2048xf32> -> vector<512x2048xf32>
    %get3A_6 = arith.constant 0 : index
    %get3A_7 = arith.constant 0 : index
    %get3A_8 = vector.load %arg3[%get3A_6, %get3A_7] : memref<1x2048xf32, #tpu.memory_space<vmem>>, vector<1x2048xf32>
    %add3A = vector.broadcast %get3A_8 : vector<1x2048xf32> to vector<512x2048xf32>
    %add3A_9 = arith.addf %dot_general3A_5, %add3A : vector<512x2048xf32>
    %swap3A = arith.constant 0 : index
    %swap3A_10 = arith.constant 0 : index
    %swap3A_11 = vector.load %arg4[%swap3A, %swap3A_10] : memref<512x2048xf32, #tpu.memory_space<vmem>>, vector<512x2048xf32>
    tpu.vector_store %arg4[%swap3A, %swap3A_10], %add3A_9 {strides = array<i32>} : memref<512x2048xf32, #tpu.memory_space<vmem>>, vector<512x2048xf32>,
    %slice3A = vector.extract_strided_slice %add3A_9 {offsets = [0, 0], sizes = [512, 1024], strides = [1, 1]} : vector<512x2048xf32> to vector<512x1024xf32>
    %slice3A_12 = vector.extract_strided_slice %slice3A {offsets = [0, 0], sizes = [512, 512], strides = [1, 1]} : vector<512x1024xf32> to vector<512x512xf32>
    %slice3A_13 = vector.extract_strided_slice %slice3A {offsets = [0, 512], sizes = [512, 512], strides = [1, 1]} : vector<512x1024xf32> to vector<512x512xf32>
    %max3A = arith.maximumf %slice3A_12, %slice3A_13 : vector<512x512xf32>
    %slice3A_14 = vector.extract_strided_slice %max3A {offsets = [0, 0], sizes = [512, 256], strides = [1, 1]} : vector<512x512xf32> to vector<512x256xf32>
    %slice3A_15 = vector.extract_strided_slice %max3A {offsets = [0, 256], sizes = [512, 256], strides = [1, 1]} : vector<512x512xf32> to vector<512x256xf32>
    %max3A_16 = arith.maximumf %slice3A_14, %slice3A_15 : vector<512x256xf32>
    %slice3A_17 = vector.extract_strided_slice %max3A_16 {offsets = [0, 0], sizes = [512, 128], strides = [1, 1]} : vector<512x256xf32> to vector<512x128xf32>
    %slice3A_18 = vector.extract_strided_slice %max3A_16 {offsets = [0, 128], sizes = [512, 128], strides = [1, 1]} : vector<512x256xf32> to vector<512x128xf32>
    %max3A_19 = arith.maximumf %slice3A_17, %slice3A_18 : vector<512x128xf32>
    %slice3A_20 = vector.extract_strided_slice %max3A_19 {offsets = [0, 0], sizes = [512, 64], strides = [1, 1]} : vector<512x128xf32> to vector<512x64xf32>
    %slice3A_21 = vector.extract_strided_slice %max3A_19 {offsets = [0, 64], sizes = [512, 64], strides = [1, 1]} : vector<512x128xf32> to vector<512x64xf32>
    %max3A_22 = arith.maximumf %slice3A_20, %slice3A_21 : vector<512x64xf32>
    %slice3A_23 = vector.extract_strided_slice %max3A_22 {offsets = [0, 0], sizes = [512, 32], strides = [1, 1]} : vector<512x64xf32> to vector<512x32xf32>
    %slice3A_24 = vector.extract_strided_slice %max3A_22 {offsets = [0, 32], sizes = [512, 32], strides = [1, 1]} : vector<512x64xf32> to vector<512x32xf32>
    %max3A_25 = arith.maximumf %slice3A_23, %slice3A_24 : vector<512x32xf32>
    %reduce_min3A = arith.constant dense<0x7F800000> : vector<512xf32>
    %reduce_min3A_26 = vector.multi_reduction <minimumf>, %max3A_25, %reduce_min3A [1] : vector<512x32xf32> to vector<512xf32>
    %broadcast_in_dim3A = vector.shape_cast %reduce_min3A_26 : vector<512xf32> to vector<512x1xf32>
    %slice3A_27 = vector.extract_strided_slice %add3A_9 {offsets = [0, 1024], sizes = [512, 1024], strides = [1, 1]} : vector<512x2048xf32> to vector<512x1024xf32>
    %slice3A_28 = vector.extract_strided_slice %slice3A_27 {offsets = [0, 0], sizes = [512, 512], strides = [1, 1]} : vector<512x1024xf32> to vector<512x512xf32>
    %slice3A_29 = vector.extract_strided_slice %slice3A_27 {offsets = [0, 512], sizes = [512, 512], strides = [1, 1]} : vector<512x1024xf32> to vector<512x512xf32>
    %max3A_30 = arith.maximumf %slice3A_28, %slice3A_29 : vector<512x512xf32>
    %slice3A_31 = vector.extract_strided_slice %max3A_30 {offsets = [0, 0], sizes = [512, 256], strides = [1, 1]} : vector<512x512xf32> to vector<512x256xf32>
    %slice3A_32 = vector.extract_strided_slice %max3A_30 {offsets = [0, 256], sizes = [512, 256], strides = [1, 1]} : vector<512x512xf32> to vector<512x256xf32>
    %max3A_33 = arith.maximumf %slice3A_31, %slice3A_32 : vector<512x256xf32>
    %slice3A_34 = vector.extract_strided_slice %max3A_33 {offsets = [0, 0], sizes = [512, 128], strides = [1, 1]} : vector<512x256xf32> to vector<512x128xf32>
    %slice3A_35 = vector.extract_strided_slice %max3A_33 {offsets = [0, 128], sizes = [512, 128], strides = [1, 1]} : vector<512x256xf32> to vector<512x128xf32>
    %max3A_36 = arith.maximumf %slice3A_34, %slice3A_35 : vector<512x128xf32>
    %slice3A_37 = vector.extract_strided_slice %max3A_36 {offsets = [0, 0], sizes = [512, 64], strides = [1, 1]} : vector<512x128xf32> to vector<512x64xf32>
    %slice3A_38 = vector.extract_strided_slice %max3A_36 {offsets = [0, 64], sizes = [512, 64], strides = [1, 1]} : vector<512x128xf32> to vector<512x64xf32>
    %max3A_39 = arith.maximumf %slice3A_37, %slice3A_38 : vector<512x64xf32>
    %slice3A_40 = vector.extract_strided_slice %max3A_39 {offsets = [0, 0], sizes = [512, 32], strides = [1, 1]} : vector<512x64xf32> to vector<512x32xf32>
    %slice3A_41 = vector.extract_strided_slice %max3A_39 {offsets = [0, 32], sizes = [512, 32], strides = [1, 1]} : vector<512x64xf32> to vector<512x32xf32>
    %max3A_42 = arith.maximumf %slice3A_40, %slice3A_41 : vector<512x32xf32>
    %reduce_min3A_43 = arith.constant dense<0x7F800000> : vector<512xf32>
    %reduce_min3A_44 = vector.multi_reduction <minimumf>, %max3A_42, %reduce_min3A_43 [1] : vector<512x32xf32> to vector<512xf32>
    %broadcast_in_dim3A_45 = vector.shape_cast %reduce_min3A_44 : vector<512xf32> to vector<512x1xf32>
    %concatenate3A = tpu.concatenate %broadcast_in_dim3A, %broadcast_in_dim3A_45 in 1 : vector<512x1xf32>, vector<512x1xf32> -> vector<512x2xf32>
    %swap3A_46 = arith.constant 0 : index
    %swap3A_47 = arith.constant 0 : index
    %swap3A_48 = vector.load %arg5[%swap3A_46, %swap3A_47] : memref<512x2xf32, #tpu.memory_space<vmem>>, vector<512x2xf32>
    tpu.vector_store %arg5[%swap3A_46, %swap3A_47], %concatenate3A {strides = array<i32>} : memref<512x2xf32, #tpu.memory_space<vmem>>, vector<512x2xf32>,
    return
  }
  func.func @transform_0(%arg0: i32) -> (i32, i32) {
    %c0_i32 = arith.constant 0 : i32
    %c0_i32_0 = arith.constant 0 : i32
    return %arg0, %c0_i32 : i32, i32
  }
  func.func @transform_1(%arg0: i32) -> (i32, i32) {
    %c0_i32 = arith.constant 0 : i32
    %c0_i32_0 = arith.constant 0 : i32
    %c0_i32_1 = arith.constant 0 : i32
    return %c0_i32, %c0_i32_0 : i32, i32
  }
  func.func @transform_2(%arg0: i32) -> (i32, i32) {
    %c0_i32 = arith.constant 0 : i32
    %c0_i32_0 = arith.constant 0 : i32
    %c0_i32_1 = arith.constant 0 : i32
    return %c0_i32, %c0_i32_0 : i32, i32
  }
  func.func @transform_3(%arg0: i32) -> (i32, i32) {
    %c0_i32 = arith.constant 0 : i32
    %c0_i32_0 = arith.constant 0 : i32
    return %arg0, %c0_i32 : i32, i32
  }
  func.func @transform_4(%arg0: i32) -> (i32, i32) {
    %c0_i32 = arith.constant 0 : i32
    %c0_i32_0 = arith.constant 0 : i32
    return %arg0, %c0_i32 : i32, i32
  }
}

</mosaic_0001>

<sc_bundles>
// kernel: kernel.4.cloned.1.call-start
scs
__scs_entry_jumppad:
0x0: {  	(pc) =	sbr.rel $0x88, $3  }
0x1: {  	(tag) =	ssettag $0x0;
	lr =	simm.s32 $0x1  }
0x2: {  	[smem:$0x3F9D] =	sst lr;
	_ =	strace $0xD0000000  }
0x3: {  	_ = 	snop  }
0x4: {  	_ = 	snop  }
0x5: {  	_ = 	snop  }
0x6: {  	_ = 	snop  }
0x7: {  	_ = 	snop  }
__scs_overlays_trampoline_lowered:
0x8: {  	[smem:$0x3FAC] =	sst s0  }
0x9: {  	[smem:$0x3FAD] =	sst s1  }
0xa: {  	[smem:$0x3FAE] =	sst s2  }
0xb: {  	[smem:$0x3FAF] =	sst s3  }
0xc: {  	[smem:$0x3FB0] =	sst s4  }
0xd: {  	[smem:$0x3FB1] =	sst s5  }
0xe: {  	[smem:$0x3FB2] =	sst s6  }
0xf: {  	[smem:$0x3FB3] =	sst s7  }
0x10: {  	[smem:$0x3FB4] =	sst s8  }
0x11: {  	[smem:$0x3FB5] =	sst s9;
	s0 =	simm.s32 @!p0 $0x0  }
0x12: {  	s1 =	sld [smem:$0x3F9B];
	s0 =	simm.s32 @p0 $0x1  }
0x13: {  	[smem:$0x3FB6] =	sst s0;
	s0 =	simm.s32 @!p1 $0x0  }
0x14: {  	s2 =	sld [smem:$0x3F9A];
	s0 =	simm.s32 @p1 $0x1  }
0x15: {  	[smem:$0x3FB7] =	sst s0;
	s0 =	simm.s32 @!p2 $0x0  }
0x16: {  	s3 =	sld [smem:$0x3FDB];
	s0 =	simm.s32 @p2 $0x1  }
0x17: {  	s4 =	simm.s32 $0x1BF5;
	[smem:$0x3FB9] =	sst s0  }
0x18: {  	s0 =	sld [smem:$0x3F9C];
	_ =	swait.ge [sflag:s4], $0x0  }
0x19: {  	s7 =	sld [smem:$0x3F9D]  }
0x1a: {  	s8 =	sadd.s32 $0xFFFFE003, lr  }
0x1b: {  	s9 =	sadd.s32 $0xFFFFFEF7, lr;
	s5 =	simm.s32 $0xFFFFFFFF;
	p2 =	slt.u32 s8, $0xFFFFF086  }
0x1c: {  	p1 =	slt.u32 s9, $0xF7A;
	s5 =	simm.s32 @!p2 $0x0  }
0x1d: {  	s5 =	simm.s32 @p1 $0x1;
	p0 =	seq.s32 s7, s2  }
0x1e: {  	s7 =	smul.u32 @!p0 $0xF7A, s2;
	p2 =	seq.s32 @!p0 s5, $0x0  }
0x1f: {  	s9 =	smul.u32 $0xF7A, s1;
	s8 =	simm.s32 @!p0 $0x1BF5;
	p2 =	por !p2, p0  }
0x20: {  	[sflag:s8] =	ssyncset.s32 @!p0 $0xFFFFF086;
	s6 =	sadd.s32 @!p0 s3, s7;
	s7 =	simm.s32 @!p0 $0x108  }
0x21: {  	s3 =	sadd.s32 s3, s9;
	s6 =	sadd.s32 @!p0 $0x88, s6;
	s7 =	simm.s32 @p2 $0x1082  }
0x22: {  	[simem:s7], [sflag:s8] =	dma.local @!p0 [hbm:s6], $0xF7A  }
0x23: {  	s9 =	sor.u32 $0xD0000000, s2;
	s6 =	simm.s32 $0x108;
	_ =	swait.ge @!p0 [sflag:s8], $0x0  }
0x24: {  	s3 =	sadd.s32 $0x88, s3;
	s6 =	simm.s32 @!p1 $0x1082;
	[sflag:s4] =	ssyncset.s32 $0xFFFFF086  }
0x25: {  	[simem:s6], [sflag:s4] =	dma.local [hbm:s3], $0xF7A  }
0x26: {  	[smem:$0x3F9D] =	sst s1;
	(tag) =	ssettag s2;
	_ =	strace s9  }
0x27: {  	s1 =	sld [smem:$0x3FAD]  }
0x28: {  	s2 =	sld [smem:$0x3FAE]  }
0x29: {  	s4 =	sld [smem:$0x3FB0]  }
0x2a: {  	p0 =	seq.s32 s5, $0x0;
	s5 =	sld [smem:$0x3FB1]  }
0x2b: {  	s6 =	sld [smem:$0x3FB2]  }
0x2c: {  	s7 =	sld [smem:$0x3FB3]  }
0x2d: {  	s3 =	simm.s32 $0x108;
	s8 =	sld [smem:$0x3FB4]  }
0x2e: {  	s3 =	simm.s32 @!p0 $0x1082;
	s9 =	sld [smem:$0x3FB5]  }
0x2f: {  	lr =	sadd.s32 s0, s3;
	s0 =	sld [smem:$0x3FAC]  }
0x30: {  	s3 =	sld [smem:$0x3FAF]  }
0x31: {  	[smem:$0x3FB8] =	sst s10  }
0x32: {  	s10 =	sld [smem:$0x3FB6];
	_ =	sdelay $0x3  }
0x33: {  	p0 =	seq.s32 s10, $0x1;
	s10 =	sld [smem:$0x3FB8];
	_ =	sdelay $0x3  }
0x34: {  	[smem:$0x3FB8] =	sst s10  }
0x35: {  	s10 =	sld [smem:$0x3FB7];
	_ =	sdelay $0x3  }
0x36: {  	p1 =	seq.s32 s10, $0x1;
	s10 =	sld [smem:$0x3FB8];
	_ =	sdelay $0x3  }
0x37: {  	[smem:$0x3FB8] =	sst s10  }
0x38: {  	s10 =	sld [smem:$0x3FB9]  }
0x39: {  	_ = 	snop;
	(pc) =	sbr.ind lr, $3  }
0x3a: {  	_ = 	snop  }
0x3b: {  	_ = 	snop  }
0x3c: {  	p2 =	seq.s32 s10, $0x1;
	s10 =	sld [smem:$0x3FB8]  }
0x3d: {  	_ =	shalt  }
0x3e: {  	_ =	shalt  }
0x3f: {  	_ =	shalt  }
0x40: {  	_ =	shalt  }
0x41: {  	_ =	shalt  }
0x42: {  	_ =	shalt  }
0x43: {  	_ =	shalt  }
0x44: {  	_ =	shalt  }
0x45: {  	_ =	shalt  }
0x46: {  	_ =	shalt  }
0x47: {  	_ =	shalt  }
0x48: {  	_ =	shalt  }
0x49: {  	_ =	shalt  }
0x4a: {  	_ =	shalt  }
0x4b: {  	_ =	shalt  }
0x4c: {  	_ =	shalt  }
0x4d: {  	_ =	shalt  }
0x4e: {  	_ =	shalt  }
0x4f: {  	_ =	shalt  }
0x50: {  	_ =	shalt  }
0x51: {  	_ =	shalt  }
0x52: {  	_ =	shalt  }
0x53: {  	_ =	shalt  }
0x54: {  	_ =	shalt  }
0x55: {  	_ =	shalt  }
0x56: {  	_ =	shalt  }
0x57: {  	_ =	shalt  }
0x58: {  	_ =	shalt  }
0x59: {  	_ =	shalt  }
0x5a: {  	_ =	shalt  }
0x5b: {  	_ =	shalt  }
0x5c: {  	_ =	shalt  }
0x5d: {  	_ =	shalt  }
0x5e: {  	_ =	shalt  }
0x5f: {  	_ =	shalt  }
0x60: {  	_ =	shalt  }
0x61: {  	_ =	shalt  }
0x62: {  	_ =	shalt  }
0x63: {  	_ =	shalt  }
0x64: {  	_ =	shalt  }
0x65: {  	_ =	shalt  }
0x66: {  	_ =	shalt  }
0x67: {  	_ =	shalt  }
0x68: {  	_ =	shalt  }
0x69: {  	_ =	shalt  }
0x6a: {  	_ =	shalt  }
0x6b: {  	_ =	shalt  }
0x6c: {  	_ =	shalt  }
0x6d: {  	_ =	shalt  }
0x6e: {  	_ =	shalt  }
0x6f: {  	_ =	shalt  }
0x70: {  	_ =	shalt  }
0x71: {  	_ =	shalt  }
0x72: {  	_ =	shalt  }
0x73: {  	_ =	shalt  }
0x74: {  	_ =	shalt  }
0x75: {  	_ =	shalt  }
0x76: {  	_ =	shalt  }
0x77: {  	_ =	shalt  }
0x78: {  	_ =	shalt  }
0x79: {  	_ =	shalt  }
0x7a: {  	_ =	shalt  }
0x7b: {  	_ =	shalt  }
0x7c: {  	_ =	shalt  }
0x7d: {  	_ =	shalt  }
0x7e: {  	_ =	shalt  }
0x7f: {  	_ =	shalt  }
0x80: {  	_ =	shalt  }
0x81: {  	_ =	shalt  }
0x82: {  	_ =	shalt  }
0x83: {  	_ =	shalt  }
0x84: {  	_ =	shalt  }
0x85: {  	_ =	shalt  }
0x86: {  	_ =	shalt  }
0x87: {  	_ =	shalt  }
.Lfunc_end0:
.L_simem_size_0:
called_computation_lowered:
.L_overlay_start_0:
0x88: {  	s2 =	sld [smem:$0x3FD9]  }
0x89: {  	s3 =	sld [smem:$0x3FFE];
	_ =	sdelay $0x1  }
0x8a: {  	s1 =	srdreg.scid  }
0x8b: {  	s0 =	sand.u32 $0x1, s1  }
0x8c: {  	s14 =	sshll.u32 s0, $0xA;
	s2 =	sadd.s32 s3, s2  }
0x8d: {  	s2 =	sadd.s32 s2, s14  }
0x8e: {  	[smem:$0x3FC4] =	sst s2  }
0x8f: {  	_ = 	snop  }
0x90: {  	s2 =	sld [smem:$0x3FD0];
	_ =	sdelay $0x2  }
0x91: {  	s15 =	simm.s32 $0xA;
	s4 =	simm.s32 $0x10  }
0x92: {  	[smem:s4], [sflag:s15] =	dma.local [hbm:s2], $0x1  }
0x93: {  	_ =	swait.eq [sflag:s15], $0x1  }
0x94: {  	[sflag:s15] =	ssyncset.done $0x0  }
0x95: {  	s16 =	sld [smem:$0x10];
	[sflag:s15] =	ssyncadd.s32 $0xFFFFFFFF  }
0x96: {  	s17 =	sld [smem:$0x11];
	(tm) =	ssettm $0x1  }
0x97: {  	s18 =	sld [smem:$0x3FFB];
	_ =	sdelay $0x3  }
0x98: {  	_ =	strace s18  }
0x99: {  	s4 =	sld [smem:$0x3FFC];
	_ =	sdelay $0x3  }
0x9a: {  	_ =	strace s4  }
0x9b: {  	s4 =	sld [smem:$0x3FFD];
	_ =	sdelay $0x3  }
0x9c: {  	_ =	strace s4  }
0x9d: {  	_ =	strace $0x8FFFFFFF  }
0x9e: {  	s19 =	sld [smem:$0x3FDB];
	_ =	sdelay $0x1  }
0x9f: {  	s5 =	simm.s32 $_scs_section_size  }
0xa0: {  	s6 =	simm.s32 $_size__tile_overlayer_lowered;
	s7 =	simm.s32 $_tile_overlayer_lowered  }
0xa1: {  	s22 =	simm.s32 $0x1BFF;
	s21 =	sshll.u32 s7, $0x1;
	s4 =	sadd.s32 s5, s19  }
0xa2: {  	s8 =	simm.s32 $0x0;
	s20 =	sshll.u32 s6, $0x1;
	s6 =	sadd.s32 s21, s4  }
0xa3: {  	[timem:s8], [sflag:s22] =	dma.local [hbm:s6], s20  }
0xa4: {  	_ =	swait.ge [sflag:s22], s20  }
0xa5: {  	s5 =	ssub.s32 $0x0, s20;
	[sflag:s22] =	ssyncset.done $0x0  }
0xa6: {  	[sflag:s22] =	ssyncadd.s32 s5;
	_ =	sdelay $0x1  }
0xa7: {  	s23 =	simm.s32 $0x1B8B  }
0xa8: {  	_ =	swait.ge [sflag:s23], $0x1  }
0xa9: {  	[sflag:s23] =	ssyncset.done $0x0  }
0xaa: {  	s25 =	simm.s32 $0x1B8E;
	s24 =	sld [smem:$0x3FFE];
	[sflag:s23] =	ssyncadd.s32 $0xFFFFFFFF  }
0xab: {  	s26 =	simm.s32 $execute0_lowered;
	[smem:$0x3FD2] =	sst s25  }
0xac: {  	s6 =	sshll.u32 s26, $0x1;
	_ =	strace $0x80000046;
	[dreg:$0x1] =	wrdreg $0xFFFFFFFF  }
0xad: {  	s28 =	simm.s32 $_size_execute0_lowered;
	s4 =	sadd.s32 s4, s6;
	[dreg:$0x0] =	wrdreg $0x0  }
0xae: {  	s6 =	sshll.u32 s28, $0x1;
	[dreg:$0x2] =	wrdreg s4  }
0xaf: {  	[dreg:$0x3] =	wrdreg s6  }
0xb0: {  	[dreg:$0x4] =	wrdreg $0xC0  }
0xb1: {  	_ =	task [dreg:s8], $0x5FFFF  }
0xb2: {  	[dreg:$0x1] =	wrdreg $0xFFFFFFFF  }
0xb3: {  	[dreg:$0x0] =	wrdreg $0x60  }
0xb4: {  	[dreg:$0x2] =	wrdreg s24  }
0xb5: {  	[dreg:$0x3] =	wrdreg s16  }
0xb6: {  	[dreg:$0x4] =	wrdreg s17  }
0xb7: {  	[dreg:$0x5] =	wrdreg $0x9  }
0xb8: {  	_ =	task.clear_ibuf [dreg:s8], $0x6FFFF;
	_ =	strace $0x90000046  }
0xb9: {  	s29 =	simm.s32 $0x9;
	_ =	strace $0x80000048  }
0xba: {  	_ =	swait.ge [sflag:s29], $0x1  }
0xbb: {  	[sflag:s29] =	ssyncadd.s32 $0xFFFFFFFF  }
0xbc: {  	_ =	strace $0x90000048  }
0xbd: {  	_ =	sfence  }
0xbe: {  	s30 =	sld [smem:$0x0];
	_ =	sdelay $0x2  }
0xbf: {  	s31 =	sshll.u32 s1, $0xD;
	s1 =	sshrl.u32 s1, $0x2  }
0xc0: {  	s3 =	sand.u32 $0x4000, s31;
	s1 =	sadd.s32 s1, s30  }
0xc1: {  	s0 =	sor.u32 s3, s0;
	s1 =	sshll.u32 s1, $0x11  }
0xc2: {  	s0 =	sor.u32 s1, s0  }
0xc3: {  	s0 =	sadd.s32 $0x8F2B, s0  }
0xc4: {  	[sflag:s0] =	ssyncadd.remote.s32 $0x1  }
0xc5: {  	_ =	sfence.sel $0xFFFF  }
0xc6: {  	[dreg:$0x0] =	wrdreg $0xFFFFFFFF;
	(pc) =	sbr.abs _section_cstart, $3  }
0xc7: {  	[dreg:$0x1] =	wrdreg $0xFFFFFFFF  }
0xc8: {  	_ =	task.clear_ibuf [dreg:s8], $0x2FFFF;
	_ =	strace $0x9FFFFFFF  }
0xc9: {  	(tm) =	ssettm $0x7FFFFFFF  }
tec
execute0_lowered:
.L_overlay_start_1:
0x0: {  	(tag) =	ssettag $0x1  }
0x1: {  	s0 =	rddreg [dreg:$0x0]  }
0x2: {  	s1 =	rddreg [dreg:$0x2]  }
0x3: {  	s3 =	simm.s32 $0x0;
	s2 =	srdreg.scid;
	s4 =	stileid.u32  }
0x4: {  	[smem:$0x7FF] =	sst s3;
	s2 =	sand.u32 $0x1, s2;
	s5 =	sadd.s32 $0x1800, s0  }
0x5: {  	s26 =	sadd.s32 $0x201800, s0;
	_ =	strace $0x80000047;
	[dreg:$0x4] =	wrdreg s5  }
0x6: {  	s4 =	sshll.u32 s4, $0x1;
	s28 =	sadd.s32 $0x201A00, s0;
	[dreg:$0x5] =	wrdreg s26  }
0x7: {  	s6 =	sadd.s32 $0x201C00, s0;
	s4 =	sor.u32 s2, s4;
	[dreg:$0x6] =	wrdreg s28  }
0x8: {  	s2 =	ssub.s32 $0x2, s2;
	[dreg:$0x7] =	wrdreg s6;
	s29 =	sshll.u32 s4, $0xA  }
.Ltmp0:
0x9: {  	s30 =	sshrl.u32 s2, $0x1;
	s4 =	sshll.u32 s4, $0x8;
	(pc) =	sbr.rel .LBB2_1-.Ltmp0, $4  }
0xa: {  	v0 =	vlaneseq.u32;
	s0 =	sadd.s32 s29, s0;
	[dreg:$0x8] =	wrdreg s4;
	s1 =	sadd.s32 s1, s29  }
0xb: {  	v3 =	vmul.u32 $0xFFFFFFFF, v0;
	s2 =	ssub.s32 s2, s30;
	[dreg:$0x9] =	wrdreg s1;
	s0 =	sadd.s32 $0x201E00, s0  }
0xc: {  	s31 =	smax.u32 s2, $0x1;
	[dreg:$0xa] =	wrdreg s0  }
0xd: {  	v2 =	vimm.s32 $0x3FF;
	v1 =	vor.u32 $0x10, v0;
	v3 =	vadd.s32 $0xF, v3;
	s4 =	simm.s32 $0x1;
	s1 =	simm.s32 $0x0;
	[dreg:$0xb] =	wrdreg s31  }
.LBB2_20:
0xe: {  	s0 =	rddreg [dreg:$0x9];
	s1 =	simm.s32 $0x10C00  }
0xf: {  	[hbm4b:s0+s3] =	stream.linear.scatter [tilespmem:s1], [sflag:$0x1], $0x2000, $0x38;
	[tilespmem:$0x14C00] =	vst v63  }
0x10: {  	_ =	swait.ge [sflag:s4], $0x2000  }
0x11: {  	[sflag:s4] =	ssyncset.done $0x0  }
0x12: {  	s29 =	simm.s32 $0x12C00;
	s28 =	rddreg [dreg:$0xa];
	[sflag:s4] =	ssyncadd.s32 $0xFFFFE000  }
0x13: {  	[hbm4b:s28+s3] =	stream.linear.scatter [tilespmem:s29], [sflag:$0x1], $0x2000, $0x38;
	[tilespmem:$0x14C00] =	vst v63  }
0x14: {  	_ =	swait.ge [sflag:s4], $0x2000  }
0x15: {  	s30 =	rddreg [dreg:$0xc]  }
0x16: {  	s31 =	rddreg [dreg:$0xb];
	s1 =	sadd.s32 $0x1, s30  }
0x17: {  	p0 =	sne.s32 s1, s31  }
.Ltmp1:
0x18: {  	_ = 	snop;
	(pc) =	sbr.rel @!p0 .LBB2_21-.Ltmp1, $3  }
0x19: {  	_ =	sdelay $0x1  }
0x1a: {  	[sflag:s4] =	ssyncset.done $0x0  }
0x1b: {  	[sflag:s4] =	ssyncadd.s32 $0xFFFFE000  }
.LBB2_1:
0x1c: {  	[dreg:$0xc] =	wrdreg s1  }
0x1d: {  	s0 =	rddreg [dreg:$0x5];
	s26 =	simm.s32 $0x10A80  }
0x1e: {  	[tilespmem:s26], [sflag:$0x1] =	stream.linear.gather [hbm4b:s0+s3], $0x80, $0x38;
	[tilespmem:$0x14C00] =	vst v63  }
0x1f: {  	_ =	swait.ge [sflag:s4], $0x80  }
0x20: {  	[sflag:s4] =	ssyncset.done $0x0  }
0x21: {  	s29 =	simm.s32 $0x10B00;
	s28 =	rddreg [dreg:$0x6];
	[sflag:s4] =	ssyncadd.s32 $0xFFFFFF80  }
0x22: {  	[tilespmem:s29], [sflag:$0x1] =	stream.linear.gather [hbm4b:s28+s3], $0x80, $0x38;
	[tilespmem:$0x14C00] =	vst v63  }
0x23: {  	_ =	swait.ge [sflag:s4], $0x80  }
0x24: {  	s31 =	simm.s32 $0x10B80;
	[sflag:s4] =	ssyncset.done $0x0  }
.Ltmp2:
0x25: {  	s30 =	rddreg [dreg:$0x7];
	[sflag:s4] =	ssyncadd.s32 $0xFFFFFF80;
	(pc) =	sbr.rel .LBB2_2-.Ltmp2, $4  }
0x26: {  	[tilespmem:s31], [sflag:$0x1] =	stream.linear.gather [hbm4b:s30+s3], $0x80, $0x38;
	[tilespmem:$0x14C00] =	vst v63  }
0x27: {  	_ =	swait.ge [sflag:s4], $0x80  }
0x28: {  	[sflag:s4] =	ssyncset.done $0x0  }
0x29: {  	s0 =	simm.s32 $0x0;
	[sflag:s4] =	ssyncadd.s32 $0xFFFFFF80  }
.LBB2_19:
0x2a: {  	s0 =	rddreg [dreg:$0xd]  }
0x2b: {  	s0 =	sadd.s32 $0x1, s0  }
0x2c: {  	p0 =	sne.s32 s0, $0x8  }
.Ltmp3:
0x2d: {  	_ = 	snop;
	(pc) =	sbr.rel @!p0 .LBB2_20-.Ltmp3, $2  }
0x2e: {  	_ =	sdelay $0x2  }
0x2f: {  	s4 =	simm.s32 $0x1  }
.LBB2_2:
0x30: {  	[dreg:$0xd] =	wrdreg s0  }
0x31: {  	s1 =	sshll.u32 s0, $0x5;
	s28 =	rddreg [dreg:$0x8]  }
0x32: {  	s2 =	rddreg [dreg:$0x4];
	s0 =	sadd.s32 s28, s1  }
0x33: {  	[dreg:$0xe] =	wrdreg s1;
	s1 =	sshll.u32 s0, $0x8  }
0x34: {  	s29 =	simm.s32 $0x0;
	s1 =	sadd.s32 s2, s1  }
0x35: {  	[tilespmem:s29], [sflag:$0x1] =	stream.linear.gather [hbm4b:s1+s29], $0x10000, $0x38;
	[tilespmem:$0x14C00] =	vst v63  }
0x36: {  	_ =	swait.ge [sflag:s4], $0x10000  }
0x37: {  	[sflag:s4] =	ssyncset.done $0x0  }
0x38: {  	[sflag:s4] =	ssyncadd.s32 $0xFFFF0000  }
0x39: {  	s0 =	sshrl.u32 s0, $0x2;
	s30 =	rddreg [dreg:$0x1]  }
.Ltmp4:
0x3a: {  	s31 =	simm.s32 $0x10000;
	s0 =	sadd.s32 s30, s0;
	(pc) =	sbr.rel .LBB2_3-.Ltmp4, $4  }
0x3b: {  	[tilespmem:s31], [sflag:$0x1] =	stream.linear.gather [hbm4b:s0+s29], $0x40, $0x38;
	[tilespmem:$0x14C00] =	vst v63  }
0x3c: {  	_ =	swait.ge [sflag:s4], $0x40  }
0x3d: {  	[sflag:s4] =	ssyncset.done $0x0  }
0x3e: {  	s25 =	simm.s32 $0x0;
	[sflag:s4] =	ssyncadd.s32 $0xFFFFFFC0  }
.LBB2_6:
0x3f: {  	v8 =	vimm.s32 $0x40000000;
	v10 =	vimm.f32 $-3.000000010e+38  }
0x40: {  	v11 =	vimm.f32 $-3.000000010e+38;
	v5 =	vimm.s32 $0x40000000;
	v6 =	vimm.f32 $-3.000000010e+38  }
0x41: {  	v4 =	vimm.s32 $0x40000000;
	v9 =	vimm.f32 $-3.000000010e+38;
	v7 =	vimm.s32 $0x40000000  }
.LBB2_18:
0x42: {  	[tilespmem:$0x10980] =	vst v10;
	v27 =	vld [tilespmem:$0x10A80]  }
0x43: {  	[tilespmem:$0x10990] =	vst v11;
	v28 =	vld [tilespmem:$0x10B00]  }
0x44: {  	[tilespmem:$0x109A0] =	vst v6;
	v29 =	vld [tilespmem:$0x10A90]  }
0x45: {  	[tilespmem:$0x109B0] =	vst v9;
	v30 =	vld [tilespmem:$0x10B10]  }
0x46: {  	[tilespmem:$0x10A00] =	vst v8  }
0x47: {  	[tilespmem:$0x10A10] =	vst v5  }
0x48: {  	[tilespmem:$0x10A20] =	vst v4;
	v4 =	vld [tilespmem:$0x10B80]  }
0x49: {  	[tilespmem:$0x10A30] =	vst v7;
	s0 =	simm.s32 $0x10980;
	v13 =	vld [tilespmem:$0x10B90]  }
0x4a: {  	v5 =	vld.idx.msk [tilespmem:v27+s0+$0x0], $0xffff  }
0x4b: {  	v7 =	vld.idx.msk [tilespmem:v28+s0+$0x0], $0xffff  }
0x4c: {  	v31 =	vld.idx.msk [tilespmem:v29+s0+$0x0], $0xffff  }
0x4d: {  	s1 =	simm.s32 $0x10A00;
	v12 =	vld.idx.msk [tilespmem:v30+s0+$0x0], $0xffff  }
0x4e: {  	v9 =	vld.idx.msk [tilespmem:v27+s1+$0x0], $0xffff  }
0x4f: {  	v6 =	vld.idx.msk [tilespmem:v29+s1+$0x0], $0xffff  }
0x50: {  	v11 =	vld.idx.msk [tilespmem:v28+s1+$0x0], $0xffff  }
0x51: {  	v32 =	vld.idx.msk [tilespmem:v30+s1+$0x0], $0xffff;
	v5 =	vadd.f32 v7, v5  }
0x52: {  	v33 =	vadd.f32 v12, v31  }
0x53: {  	v9 =	vmul.u32 $0x3E8, v9;
	v5 =	vmax.f32 v5, $0.0e+00  }
0x54: {  	v6 =	vmul.u32 $0x3E8, v6;
	v4 =	vadd.f32 v5, v4;
	v5 =	vmax.f32 v33, $0.0e+00  }
0x55: {  	v34 =	vadd.s32 v11, v9;
	v5 =	vadd.f32 v5, v13  }
0x56: {  	v35 =	vld [tilespmem:$0x10AB0];
	(xrf1) =	vsort.dscd.msk.f32 $0xffff, v4, v34;
	v4 =	vadd.s32 v32, v6  }
0x57: {  	v36 =	vld [tilespmem:$0x10B30];
	(xrf1) =	vsort.dscd.msk.f32 $0xffff, v5, v4  }
0x58: {  	v4 =	vld [tilespmem:$0x10AA0]  }
0x59: {  	v5 =	vld [tilespmem:$0x10B20];
	_ =	sdelay $0x4  }
0x5a: {  	v42 =	vld.idx.msk [tilespmem:v35+s0+$0x0], $0xffff  }
0x5b: {  	v16 =	vld.idx.msk [tilespmem:v36+s0+$0x0], $0xffff  }
0x5c: {  	v38 =	vld.idx.msk [tilespmem:v4+s0+$0x0], $0xffff  }
0x5d: {  	v39 =	vld.idx.msk [tilespmem:v5+s0+$0x0], $0xffff  }
0x5e: {  	v37 =	vld [tilespmem:$0x10BA0]  }
0x5f: {  	v4 =	vld.idx.msk [tilespmem:v4+s1+$0x0], $0xffff  }
0x60: {  	v17 =	vld [tilespmem:$0x10BB0];
	v41, v40, _ =	vpop (xrf1)  }
0x61: {  	v13 =	vadd.f32 v16, v42;
	v6 =	vld.idx.msk [tilespmem:v35+s1+$0x0], $0xffff;
	v14, v15, _ =	vpop (xrf1)  }
0x62: {  	v5 =	vld.idx.msk [tilespmem:v5+s1+$0x0], $0xffff;
	v9 =	vadd.f32 v39, v38;
	v14 =	vperm.xlane v14, v3  }
0x63: {  	v7 =	vld.idx.msk [tilespmem:v36+s1+$0x0], $0xffff;
	v44 =	vmax.f32 v13, $0.0e+00;
	v15 =	vperm.xlane v15, v3  }
0x64: {  	v4 =	vmul.u32 $0x3E8, v4;
	v9 =	vmax.f32 v9, $0.0e+00;
	vm0 =	vge.f32 v41, v14  }
0x65: {  	v8 =	vadd.f32 v9, v37;
	v18 =	vsel vm0, v41, v14;
	v43 =	vsel vm0, v40, v15  }
0x66: {  	v6 =	vmul.u32 $0x3E8, v6;
	v11 =	vsel vm0, v14, v41;
	v12 =	vsel vm0, v15, v40;
	(xrf1) =	vsort.dscd.msk.f32 $0xffff, v18, v43  }
0x67: {  	v4 =	vadd.s32 v5, v4;
	v5 =	vadd.f32 v44, v17;
	(xrf1) =	vsort.dscd.msk.f32 $0xffff, v11, v12  }
0x68: {  	v45 =	vld [tilespmem:$0x10AD0];
	(xrf1) =	vsort.dscd.msk.f32 $0xffff, v8, v4;
	v4 =	vadd.s32 v7, v6  }
0x69: {  	v46 =	vld [tilespmem:$0x10B50];
	(xrf1) =	vsort.dscd.msk.f32 $0xffff, v5, v4  }
0x6a: {  	v4 =	vld [tilespmem:$0x10AC0]  }
0x6b: {  	v5 =	vld [tilespmem:$0x10B40];
	_ =	sdelay $0x4  }
0x6c: {  	v55 =	vld.idx.msk [tilespmem:v45+s0+$0x0], $0xffff  }
0x6d: {  	v20 =	vld.idx.msk [tilespmem:v46+s0+$0x0], $0xffff  }
0x6e: {  	v48 =	vld.idx.msk [tilespmem:v4+s0+$0x0], $0xffff  }
0x6f: {  	v50 =	vld.idx.msk [tilespmem:v5+s0+$0x0], $0xffff  }
0x70: {  	v47 =	vld [tilespmem:$0x10BC0];
	v10, v49, _ =	vpop (xrf1)  }
0x71: {  	v4 =	vld.idx.msk [tilespmem:v4+s1+$0x0], $0xffff;
	v52, v51, _ =	vpop (xrf1)  }
0x72: {  	v21 =	vld [tilespmem:$0x10BD0];
	v54, v53, _ =	vpop (xrf1)  }
0x73: {  	v17 =	vadd.f32 v20, v55;
	v6 =	vld.idx.msk [tilespmem:v45+s1+$0x0], $0xffff;
	v56, v19, _ =	vpop (xrf1)  }
0x74: {  	v5 =	vld.idx.msk [tilespmem:v5+s1+$0x0], $0xffff;
	v9 =	vadd.f32 v50, v48;
	v18 =	vperm.xlane v56, v3  }
0x75: {  	v58 =	vmax.f32 v17, $0.0e+00;
	v7 =	vld.idx.msk [tilespmem:v46+s1+$0x0], $0xffff;
	v19 =	vperm.xlane v19, v3  }
0x76: {  	v4 =	vmul.u32 $0x3E8, v4;
	v9 =	vmax.f32 v9, $0.0e+00;
	vm6 =	vge.f32 v54, v18  }
0x77: {  	v8 =	vadd.f32 v9, v47;
	v22 =	vsel vm6, v54, v18;
	v57 =	vsel vm6, v53, v19  }
0x78: {  	v6 =	vmul.u32 $0x3E8, v6;
	v15 =	vsel vm6, v18, v54;
	v16 =	vsel vm6, v19, v53;
	(xrf1) =	vsort.dscd.msk.f32 $0xffff, v22, v57  }
0x79: {  	v4 =	vadd.s32 v5, v4;
	v5 =	vadd.f32 v58, v21;
	(xrf1) =	vsort.dscd.msk.f32 $0xffff, v15, v16  }
0x7a: {  	v60 =	vld [tilespmem:$0x10B70];
	(xrf1) =	vsort.dscd.msk.f32 $0xffff, v8, v4;
	v4 =	vadd.s32 v7, v6  }
0x7b: {  	v59 =	vld [tilespmem:$0x10AF0];
	(xrf1) =	vsort.dscd.msk.f32 $0xffff, v5, v4  }
0x7c: {  	v4 =	vld [tilespmem:$0x10AE0]  }
0x7d: {  	v5 =	vld [tilespmem:$0x10B60];
	_ =	sdelay $0x4  }
0x7e: {  	v24 =	vld.idx.msk [tilespmem:v60+s0+$0x0], $0xffff  }
0x7f: {  	v33 =	vld.idx.msk [tilespmem:v59+s0+$0x0], $0xffff  }
0x80: {  	v62 =	vld.idx.msk [tilespmem:v4+s0+$0x0], $0xffff  }
0x81: {  	v28 =	vld.idx.msk [tilespmem:v5+s0+$0x0], $0xffff  }
0x82: {  	v61 =	vld [tilespmem:$0x10BE0];
	v12, v63, _ =	vpop (xrf1)  }
0x83: {  	v4 =	vld.idx.msk [tilespmem:v4+s1+$0x0], $0xffff;
	v30, v29, _ =	vpop (xrf1)  }
0x84: {  	v25 =	vld [tilespmem:$0x10BF0];
	v32, v31, _ =	vpop (xrf1)  }
0x85: {  	v21 =	vadd.f32 v24, v33;
	v6 =	vld.idx.msk [tilespmem:v59+s1+$0x0], $0xffff;
	v34, v23, _ =	vpop (xrf1)  }
0x86: {  	v5 =	vld.idx.msk [tilespmem:v5+s1+$0x0], $0xffff;
	v9 =	vadd.f32 v28, v62;
	v22 =	vperm.xlane v34, v3  }
0x87: {  	v37 =	vmax.f32 v21, $0.0e+00;
	v7 =	vld.idx.msk [tilespmem:v60+s1+$0x0], $0xffff;
	v23 =	vperm.xlane v23, v3  }
0x88: {  	v4 =	vmul.u32 $0x3E8, v4;
	v9 =	vmax.f32 v9, $0.0e+00;
	vm7 =	vge.f32 v32, v22  }
0x89: {  	v8 =	vadd.f32 v9, v61;
	v35 =	vsel vm7, v32, v22;
	v36 =	vsel vm7, v31, v23  }
0x8a: {  	v6 =	vmul.u32 $0x3E8, v6;
	v19 =	vsel vm7, v22, v32;
	v20 =	vsel vm7, v23, v31;
	(xrf1) =	vsort.dscd.msk.f32 $0xffff, v35, v36  }
0x8b: {  	v4 =	vadd.s32 v5, v4;
	v5 =	vadd.f32 v37, v25;
	(xrf1) =	vsort.dscd.msk.f32 $0xffff, v19, v20  }
0x8c: {  	(xrf1) =	vsort.dscd.msk.f32 $0xffff, v8, v4;
	v4 =	vadd.s32 v7, v6  }
0x8d: {  	(xrf1) =	vsort.dscd.msk.f32 $0xffff, v5, v4;
	_ =	sdelay $0xa  }
0x8e: {  	v4, v5, _ =	vpop (xrf1)  }
0x8f: {  	v6, v7, _ =	vpop (xrf1)  }
0x90: {  	v8, v38, _ =	vpop (xrf1)  }
0x91: {  	v39, v40, _ =	vpop (xrf1)  }
0x92: {  	v16 =	vperm.xlane v39, v3  }
0x93: {  	v19 =	vperm.xlane v40, v3  }
0x94: {  	vm8 =	vge.f32 v8, v16  }
0x95: {  	v41 =	vsel vm8, v8, v16;
	v42 =	vsel vm8, v38, v19  }
0x96: {  	v8 =	vsel vm8, v16, v8;
	v9 =	vsel vm8, v19, v38;
	(xrf1) =	vsort.dscd.msk.f32 $0xffff, v41, v42  }
0x97: {  	(xrf1) =	vsort.dscd.msk.f32 $0xffff, v8, v9;
	_ =	sdelay $0x8  }
0x98: {  	v44 =	vperm.xlane v12, v3;
	v43 =	vperm.xlane v30, v3;
	_ =	sdelay $0x1  }
0x99: {  	v46 =	vperm.xlane v63, v3;
	vm1 =	vge.f32 v52, v44;
	vm9 =	vge.f32 v10, v43  }
0x9a: {  	v45 =	vperm.xlane v29, v3;
	v8 =	vsel vm9, v10, v43;
	v9 =	vsel vm1, v52, v44  }
0x9b: {  	vm2 =	vge.f32 v8, v9;
	v48, v47, _ =	vpop (xrf1)  }
0x9c: {  	v11 =	vsel vm9, v49, v45;
	v10 =	vsel vm1, v51, v46;
	v51 =	vsel vm2, v8, v9;
	v50, v49, _ =	vpop (xrf1)  }
0x9d: {  	v52 =	vsel vm2, v11, v10;
	v13 =	vperm.xlane v48, v3;
	v12 =	vperm.xlane v50, v3  }
0x9e: {  	v8 =	vsel vm2, v9, v8;
	v53 =	vsel vm2, v10, v11;
	v55 =	vperm.xlane v47, v3  }
0x9f: {  	v54 =	vperm.xlane v49, v3;
	vm11 =	vge.f32 v6, v13;
	vm10 =	vge.f32 v4, v12  }
0xa0: {  	(xrf1) =	vsort.dscd.msk.f32 $0xffff, v51, v52;
	v6 =	vsel vm11, v6, v13;
	v4 =	vsel vm10, v4, v12  }
0xa1: {  	v7 =	vsel vm11, v7, v55;
	v5 =	vsel vm10, v5, v54;
	vm12 =	vge.f32 v4, v6  }
0xa2: {  	(xrf1) =	vsort.dscd.msk.f32 $0xffff, v8, v53;
	v56 =	vsel vm12, v4, v6;
	v57 =	vsel vm12, v5, v7  }
0xa3: {  	v4 =	vsel vm12, v6, v4;
	v5 =	vsel vm12, v7, v5;
	(xrf1) =	vsort.dscd.msk.f32 $0xffff, v56, v57  }
0xa4: {  	(xrf1) =	vsort.dscd.msk.f32 $0xffff, v4, v5;
	_ =	sdelay $0xa  }
0xa5: {  	v4, v5, _ =	vpop (xrf1)  }
0xa6: {  	v58, v59, _ =	vpop (xrf1)  }
0xa7: {  	v8, v9, _ =	vpop (xrf1)  }
0xa8: {  	v60, v61, _ =	vpop (xrf1)  }
0xa9: {  	v8 =	vperm.xlane v8, v3;
	v10 =	vperm.xlane v60, v3  }
0xaa: {  	v9 =	vperm.xlane v9, v3  }
0xab: {  	v11 =	vperm.xlane v61, v3;
	vm14 =	vge.f32 v58, v8;
	vm13 =	vge.f32 v4, v10  }
0xac: {  	v6 =	vsel vm14, v58, v8;
	v4 =	vsel vm13, v4, v10  }
0xad: {  	v7 =	vsel vm14, v59, v9;
	v5 =	vsel vm13, v5, v11;
	vm15 =	vge.f32 v4, v6  }
0xae: {  	v8 =	vsel vm15, v4, v6;
	v9 =	vsel vm15, v5, v7  }
0xaf: {  	(xrf1) =	vsort.dscd.msk.f32 $0xffff, v8, v9  }
0xb0: {  	v4 =	vsel vm15, v6, v4;
	v5 =	vsel vm15, v7, v5  }
0xb1: {  	(xrf1) =	vsort.dscd.msk.f32 $0xffff, v4, v5;
	_ =	sdelay $0x8  }
0xb2: {  	s31 =	rddreg [dreg:$0xe]  }
0xb3: {  	s0 =	sor.u32 s31, s25;
	s25 =	sadd.s32 $0x1, s25  }
0xb4: {  	p0 =	sne.s32 s25, $0x20  }
.Ltmp5:
0xb5: {  	s0 =	sshll.u32 s0, $0x5;
	v4, v5, _ =	vpop (xrf1);
	(pc) =	sbr.rel @!p0 .LBB2_19-.Ltmp5, $4  }
0xb6: {  	[tilespmem:s0+$0x10C00] =	vst v4  }
0xb7: {  	v62, v63, _ =	vpop (xrf1);
	[tilespmem:s0+$0x12C00] =	vst v5  }
0xb8: {  	[tilespmem:s0+$0x10C10] =	vst v62  }
0xb9: {  	[tilespmem:s0+$0x12C10] =	vst v63  }
.LBB2_3:
0xba: {  	s0 =	sshll.u32 s25, $0x7  }
0xbb: {  	s0 =	sand.u32 $0x380, s0  }
0xbc: {  	s1 =	sshll.u32 s25, $0x1;
	v4 =	vmov s0  }
0xbd: {  	s17 =	sshll.u32 s25, $0xB;
	s18 =	simm.s32 $0x0;
	s6 =	simm.s32 $0x0  }
0xbe: {  	s16 =	sand.u32 $0x3FFFFFFE, s1;
	s26 =	sand.u32 $0xC000, s17;
	s2 =	sand.u32 $0x1C00, s6  }
0xbf: {  	s19 =	sand.u32 $0x40, s18;
	v5 =	vld [tilespmem:s16+$0x10000];
	s2 =	sadd.s32 s2, s26  }
0xc0: {  	s0 =	sadd.s32 s19, s2  }
0xc1: {  	v7 =	vld.idx.msk [tilespmem:v4+s0+$0x0 ss:$0x1], $0xffff  }
0xc2: {  	v8 =	vld.idx.msk [tilespmem:v4+s0+$0x2000 ss:$0x1], $0xffff;
	_ =	sdelay $0x1  }
0xc3: {  	v6 =	vbroadcast v5, $0x0  }
0xc4: {  	v5 =	vbroadcast v5, $0x1  }
0xc5: {  	vm0 =	vge.f32 v7, v6  }
0xc6: {  	vm1 =	vge.f32 v8, v5;
	v7 =	vmpcnt.ones.xlane vm0  }
0xc7: {  	v8 =	vmpcnt.ones.xlane vm1  }
0xc8: {  	(v2sf) =	vpush v7, $0x0  }
0xc9: {  	(v2sf) =	vpush v8, $0x0;
	_ =	sdelay $0x4  }
0xca: {  	v7 =	vld.idx.msk [tilespmem:v4+s0+$0x10 ss:$0x1], $0xffff;
	_ =	sdelay $0x1  }
0xcb: {  	s4 =	simm.s32 $0x2080  }
0xcc: {  	s5 =	simm.s32 $0x410;
	s4 =	sand.u32 $0x3C00, s4  }
0xcd: {  	s5 =	sand.u32 $0x50, s5;
	s4 =	sadd.s32 s4, s26  }
0xce: {  	s4 =	sadd.s32 s5, s4;
	vm2 =	vge.f32 v7, v6  }
0xcf: {  	v8 =	vld.idx.msk [tilespmem:v4+s4+$0x0 ss:$0x1], $0xffff;
	v7 =	vmpcnt.ones.xlane vm2;
	_ =	sdelay $0x1  }
0xd0: {  	v9 =	vor.u32 s18, v0;
	(v2sf) =	vpush v7, $0x0  }
0xd1: {  	s20 =	simm.s32 $0x2100;
	s9 =	simm.s32 $0x420;
	[tilespmem:s6+$0x10080] =	vst.msk vm0, v9;
	s22 =	spop (v2sf)  }
0xd2: {  	s1 =	simm.s32 $0x20;
	[tilespmem:s6+$0x10500] =	vst.msk vm1, v9;
	v7 =	vor.u32 s18, v1;
	s4 =	sadd.s32 $0x0, s22;
	s23 =	spop (v2sf)  }
0xd3: {  	s21 =	sand.u32 $0x3C00, s20;
	s7 =	sand.u32 $0x60, s1;
	vm11 =	vge.f32 v8, v5;
	s8 =	sadd.s32 $0x0, s23;
	[tilespmem:s4+$0x10080] =	vst.msk vm2, v7  }
0xd4: {  	s24 =	sand.u32 $0x60, s9;
	s5 =	sadd.s32 s21, s26;
	s2 =	sadd.s32 s7, s2;
	[tilespmem:s8+$0x10500] =	vst.msk vm11, v7  }
0xd5: {  	s5 =	sadd.s32 s24, s5;
	v7 =	vld.idx.msk [tilespmem:v4+s2+$0x0 ss:$0x1], $0xffff  }
0xd6: {  	v10 =	vmpcnt.ones.xlane vm11;
	v8 =	vld.idx.msk [tilespmem:v4+s5+$0x0 ss:$0x1], $0xffff  }
0xd7: {  	v9 =	vld.idx.msk [tilespmem:v4+s0+$0x30 ss:$0x1], $0xffff  }
0xd8: {  	(v2sf) =	vpush v10, $0x0;
	_ =	sdelay $0x1  }
0xd9: {  	vm12 =	vge.f32 v7, v6  }
0xda: {  	s22 =	simm.s32 $0x2180;
	vm13 =	vge.f32 v8, v5;
	v7 =	vmpcnt.ones.xlane vm12  }
0xdb: {  	s7 =	simm.s32 $0x430;
	s0 =	sand.u32 $0x3C00, s22;
	vm14 =	vge.f32 v9, v6;
	v8 =	vmpcnt.ones.xlane vm13  }
0xdc: {  	s2 =	sand.u32 $0x70, s7;
	s24 =	sadd.s32 s0, s26;
	(v2sf) =	vpush v7, $0x0;
	v7 =	vmpcnt.ones.xlane vm14  }
0xdd: {  	s2 =	sadd.s32 s2, s24;
	(v2sf) =	vpush v8, $0x0  }
0xde: {  	s14 =	spop (v2sf);
	(v2sf) =	vpush v7, $0x0;
	v7 =	vld.idx.msk [tilespmem:v4+s2+$0x0 ss:$0x1], $0xffff;
	_ =	sdelay $0x3  }
0xdf: {  	s29 =	simm.s32 $0x4B0  }
0xe0: {  	s12 =	simm.s32 $0x40;
	s11 =	simm.s32 $0x2380;
	s15 =	simm.s32 $0x400;
	vm15 =	vge.f32 v7, v5  }
0xe1: {  	s28 =	simm.s32 $0x600;
	s17 =	sand.u32 $0x40, s12;
	s23 =	simm.s32 $0x200;
	v9 =	vmpcnt.ones.xlane vm15  }
0xe2: {  	s13 =	sand.u32 $0x3C00, s11;
	s18 =	simm.s32 $0x2280;
	s5 =	sand.u32 $0x1C00, s23  }
0xe3: {  	s10 =	sadd.s32 s5, s26;
	s5 =	sand.u32 $0x3C00, s18;
	s18 =	spop (v2sf);
	(v2sf) =	vpush v9, $0x0  }
0xe4: {  	s16 =	sadd.s32 s13, s26;
	s19 =	simm.s32 $0x2300;
	s21 =	sand.u32 $0x1C00, s15  }
0xe5: {  	s13 =	simm.s32 $0x530;
	s9 =	sand.u32 $0x3C00, s19;
	s15 =	sadd.s32 s21, s26  }
0xe6: {  	s9 =	sadd.s32 s9, s26;
	s6 =	simm.s32 $0x470;
	s22 =	simm.s32 $0x2500  }
0xe7: {  	s23 =	simm.s32 $0x2480;
	s7 =	simm.s32 $0x60;
	s0 =	simm.s32 $0x4F0  }
0xe8: {  	s21 =	sand.u32 $0x3C00, s22;
	s20 =	sadd.s32 s17, s10;
	s11 =	sadd.s32 s5, s26  }
0xe9: {  	s5 =	simm.s32 $0x80;
	s24 =	simm.s32 $0x2580;
	s17 =	sand.u32 $0x70, s6  }
0xea: {  	s19 =	sand.u32 $0x40, s5;
	s22 =	sand.u32 $0x3C00, s24;
	s24 =	sand.u32 $0x1C00, s28  }
0xeb: {  	s30 =	sadd.s32 s19, s15;
	s19 =	sand.u32 $0x3C00, s23;
	s23 =	sand.u32 $0x60, s7  }
0xec: {  	s31 =	sadd.s32 s22, s26;
	s19 =	sadd.s32 s19, s26;
	s4 =	sadd.s32 s4, s14;
	v8 =	vor.u32 s1, v0  }
0xed: {  	s2 =	sadd.s32 s21, s26;
	[tilespmem:s4+$0x10080] =	vst.msk vm12, v8;
	s8 =	sadd.s32 s8, s18;
	s22 =	spop (v2sf)  }
0xee: {  	v10 =	vor.u32 s1, v1;
	s21 =	sadd.s32 s23, s10;
	[tilespmem:s8+$0x10500] =	vst.msk vm13, v8;
	s4 =	sadd.s32 s4, s22;
	s23 =	spop (v2sf)  }
0xef: {  	s14 =	simm.s32 $0xC0;
	s10 =	sadd.s32 s17, s16;
	s8 =	sadd.s32 s8, s23;
	[tilespmem:s4+$0x10080] =	vst.msk vm14, v10  }
0xf0: {  	s16 =	sand.u32 $0x40, s14;
	v8 =	vor.u32 s12, v0;
	v7 =	vor.u32 s12, v1;
	s12 =	sadd.s32 s24, s26;
	s22 =	spop (v2sf);
	[tilespmem:s8+$0x10500] =	vst.msk vm15, v10  }
.LBB2_4:
0xf1: {  	s16 =	sadd.s32 s16, s12  }
0xf2: {  	v9 =	vld.idx.msk [tilespmem:v4+s20+$0x0 ss:$0x1], $0xffff;
	s23 =	sadd.s32 s4, s22;
	s1 =	spop (v2sf);
	s4 =	smov.u32 s13  }
0xf3: {  	s22 =	sadd.s32 $0x2080, s28;
	s17 =	sadd.s32 $0x2100, s28;
	v10 =	vld.idx.msk [tilespmem:v4+s20+$0x2000 ss:$0x1], $0xffff;
	s24 =	sadd.s32 s8, s1  }
0xf4: {  	s1 =	sadd.s32 $0x40, s13;
	s8 =	sand.u32 $0x3C00, s17;
	s17 =	sadd.s32 $0x2180, s28  }
0xf5: {  	p0 =	sne.s32 s13, $0x7F0;
	s13 =	sand.u32 $0x3C00, s22;
	s17 =	sand.u32 $0x3C00, s17  }
0xf6: {  	s18 =	sadd.s32 s13, s26;
	s13 =	sadd.s32 s8, s26;
	s22 =	sadd.s32 s17, s26  }
0xf7: {  	_ = 	snop  }
0xf8: {  	vm1 =	vge.f32 v9, v6  }
0xf9: {  	s8 =	sadd.s32 $0xFFFFFFE0, s6;
	vm0 =	vge.f32 v10, v5;
	v9 =	vmpcnt.ones.xlane vm1  }
0xfa: {  	s8 =	sand.u32 $0x50, s8;
	v10 =	vmpcnt.ones.xlane vm0  }
0xfb: {  	s8 =	sadd.s32 s8, s11;
	s11 =	smov.u32 s19;
	s19 =	smov.u32 s18;
	v11 =	vld.idx.msk [tilespmem:v4+s20+$0x10 ss:$0x1], $0xffff;
	(v2sf) =	vpush v9, $0x0  }
0xfc: {  	v9 =	vld.idx.msk [tilespmem:v4+s8+$0x0 ss:$0x1], $0xffff;
	(v2sf) =	vpush v10, $0x0;
	_ =	sdelay $0x4  }
0xfd: {  	vm2 =	vge.f32 v11, v6  }
0xfe: {  	vm3 =	vge.f32 v9, v5;
	v9 =	vmpcnt.ones.xlane vm2  }
0xff: {  	v10 =	vmpcnt.ones.xlane vm3  }
0x100: {  	(v2sf) =	vpush v9, $0x0  }
0x101: {  	(v2sf) =	vpush v10, $0x0;
	_ =	sdelay $0x3  }
0x102: {  	v9 =	vor.u32 s5, v0  }
0x103: {  	s17 =	sadd.s32 $0xFFFFFFF0, s6;
	s6 =	smov.u32 s29;
	[tilespmem:s23+$0x10080] =	vst.msk vm1, v8;
	s18 =	spop (v2sf)  }
0x104: {  	s8 =	sadd.s32 $0xFFFFFBF0, s6;
	v10 =	vor.u32 s5, v1;
	[tilespmem:s24+$0x10500] =	vst.msk vm0, v8;
	s18 =	sadd.s32 s23, s18;
	s5 =	spop (v2sf);
	v8 =	vmov v9  }
0x105: {  	s23 =	sand.u32 $0x60, s8;
	s24 =	sadd.s32 s24, s5;
	[tilespmem:s18+$0x10080] =	vst.msk vm2, v7;
	s5 =	sand.u32 $0x60, s17  }
0x106: {  	s29 =	smov.u32 s0;
	s15 =	sadd.s32 s23, s15;
	[tilespmem:s24+$0x10500] =	vst.msk vm3, v7;
	s5 =	sadd.s32 s5, s9;
	v7 =	vmov v10  }
0x107: {  	s0 =	smov.u32 s4;
	s17 =	sand.u32 $0x70, s6;
	s9 =	smov.u32 s2;
	v9 =	vld.idx.msk [tilespmem:v4+s21+$0x0 ss:$0x1], $0xffff  }
0x108: {  	s4 =	sadd.s32 s17, s31;
	s2 =	smov.u32 s13;
	s31 =	smov.u32 s22;
	v10 =	vld.idx.msk [tilespmem:v4+s5+$0x0 ss:$0x1], $0xffff  }
0x109: {  	s21 =	smov.u32 s15;
	s5 =	smov.u32 s14;
	v11 =	vld.idx.msk [tilespmem:v4+s10+$0x0 ss:$0x1], $0xffff;
	s10 =	smov.u32 s4  }
0x10a: {  	s15 =	smov.u32 s12;
	v12 =	vld.idx.msk [tilespmem:v4+s20+$0x30 ss:$0x1], $0xffff;
	s20 =	smov.u32 s30;
	s30 =	smov.u32 s16  }
0x10b: {  	_ = 	snop  }
0x10c: {  	s4 =	spop (v2sf)  }
0x10d: {  	vm0 =	vge.f32 v9, v6;
	v9 =	vor.u32 s7, v0;
	s4 =	sadd.s32 s18, s4;
	s12 =	spop (v2sf)  }
0x10e: {  	vm1 =	vge.f32 v10, v5;
	v10 =	vmpcnt.ones.xlane vm0;
	s12 =	sadd.s32 s24, s12;
	[tilespmem:s4+$0x10080] =	vst.msk vm0, v9  }
0x10f: {  	vm0 =	vge.f32 v11, v5;
	[tilespmem:s12+$0x10500] =	vst.msk vm1, v9;
	v9 =	vmpcnt.ones.xlane vm1  }
0x110: {  	vm1 =	vge.f32 v12, v6;
	v11 =	vmpcnt.ones.xlane vm0;
	(v2sf) =	vpush v10, $0x0  }
0x111: {  	v10 =	vmpcnt.ones.xlane vm1;
	(v2sf) =	vpush v9, $0x0;
	_ =	sdelay $0x1  }
0x112: {  	(v2sf) =	vpush v10, $0x0  }
0x113: {  	(v2sf) =	vpush v11, $0x0;
	_ =	sdelay $0x9  }
.Ltmp6:
0x114: {  	(pc) =	sbr.rel @p0 .LBB2_4-.Ltmp6, $4  }
0x115: {  	s28 =	sadd.s32 $0x200, s28;
	v9 =	vor.u32 s7, v1;
	s7 =	smov.u32 s8;
	s13 =	spop (v2sf)  }
0x116: {  	s14 =	sadd.s32 $0xFFFFFBD0, s0;
	s4 =	sadd.s32 s4, s13;
	s8 =	spop (v2sf)  }
0x117: {  	s16 =	sand.u32 $0x40, s14;
	s13 =	sand.u32 $0x1C00, s28;
	s8 =	sadd.s32 s12, s8;
	[tilespmem:s4+$0x10080] =	vst.msk vm1, v9  }
0x118: {  	s12 =	sadd.s32 s13, s26;
	s13 =	smov.u32 s1;
	[tilespmem:s8+$0x10500] =	vst.msk vm0, v9;
	s22 =	spop (v2sf)  }
0x119: {  	_ =	sdelay $0x3  }
0x11a: {  	v9 =	vld.idx.msk [tilespmem:v4+s20+$0x0 ss:$0x1], $0xffff  }
0x11b: {  	v10 =	vld.idx.msk [tilespmem:v4+s20+$0x2000 ss:$0x1], $0xffff;
	_ =	sdelay $0x3  }
0x11c: {  	vm0 =	vge.f32 v9, v6  }
0x11d: {  	vm1 =	vge.f32 v10, v5;
	v9 =	vmpcnt.ones.xlane vm0  }
0x11e: {  	v10 =	vmpcnt.ones.xlane vm1  }
0x11f: {  	(v2sf) =	vpush v9, $0x0  }
0x120: {  	(v2sf) =	vpush v10, $0x0;
	_ =	sdelay $0x7  }
0x121: {  	s1 =	sadd.s32 $0xFFFFFFE0, s6  }
0x122: {  	s1 =	sand.u32 $0x50, s1  }
0x123: {  	v33 =	vld.idx.msk [tilespmem:v4+s20+$0x10 ss:$0x1], $0xffff;
	s1 =	sadd.s32 s1, s11  }
0x124: {  	v34 =	vld.idx.msk [tilespmem:v4+s1+$0x0 ss:$0x1], $0xffff;
	_ =	sdelay $0x1  }
0x125: {  	s17 =	sadd.s32 s4, s22;
	s18 =	spop (v2sf)  }
0x126: {  	s4 =	sadd.s32 s8, s18;
	[tilespmem:s17+$0x10080] =	vst.msk vm0, v8;
	s22 =	spop (v2sf)  }
0x127: {  	vm8 =	vge.f32 v33, v6;
	[tilespmem:s4+$0x10500] =	vst.msk vm1, v8;
	s1 =	sadd.s32 s17, s22;
	s23 =	spop (v2sf)  }
0x128: {  	s24 =	sadd.s32 $0xFFFFFFF0, s6;
	vm9 =	vge.f32 v34, v5;
	s4 =	sadd.s32 s4, s23;
	[tilespmem:s1+$0x10080] =	vst.msk vm8, v7  }
0x129: {  	s6 =	sand.u32 $0x60, s24;
	[tilespmem:s4+$0x10500] =	vst.msk vm9, v7  }
0x12a: {  	s6 =	sadd.s32 s6, s9;
	v7 =	vld.idx.msk [tilespmem:v4+s21+$0x0 ss:$0x1], $0xffff  }
0x12b: {  	v8 =	vld.idx.msk [tilespmem:v4+s6+$0x0 ss:$0x1], $0xffff;
	_ =	sdelay $0x2  }
0x12c: {  	v9 =	vmpcnt.ones.xlane vm8  }
0x12d: {  	v10 =	vmpcnt.ones.xlane vm9;
	vm10 =	vge.f32 v7, v6  }
0x12e: {  	(v2sf) =	vpush v9, $0x0;
	vm11 =	vge.f32 v8, v5;
	v7 =	vmpcnt.ones.xlane vm10  }
0x12f: {  	(v2sf) =	vpush v10, $0x0;
	v8 =	vmpcnt.ones.xlane vm11  }
0x130: {  	(v2sf) =	vpush v7, $0x0  }
0x131: {  	(v2sf) =	vpush v8, $0x0;
	_ =	sdelay $0x9  }
0x132: {  	v35 =	vld.idx.msk [tilespmem:v4+s20+$0x30 ss:$0x1], $0xffff  }
0x133: {  	v36 =	vld.idx.msk [tilespmem:v4+s10+$0x0 ss:$0x1], $0xffff  }
0x134: {  	s8 =	spop (v2sf)  }
0x135: {  	v37 =	vor.u32 s7, v0;
	s1 =	sadd.s32 s1, s8;
	s9 =	spop (v2sf)  }
0x136: {  	s4 =	sadd.s32 s4, s9;
	[tilespmem:s1+$0x10080] =	vst.msk vm10, v37;
	s10 =	spop (v2sf)  }
0x137: {  	v38 =	vor.u32 s7, v1;
	vm12 =	vge.f32 v35, v6;
	[tilespmem:s4+$0x10500] =	vst.msk vm11, v37;
	s1 =	sadd.s32 s1, s10;
	s11 =	spop (v2sf)  }
0x138: {  	vm13 =	vge.f32 v36, v5;
	s4 =	sadd.s32 s4, s11;
	[tilespmem:s1+$0x10080] =	vst.msk vm12, v38  }
0x139: {  	[tilespmem:s4+$0x10500] =	vst.msk vm13, v38  }
0x13a: {  	v7 =	vld.idx.msk [tilespmem:v4+s30+$0x0 ss:$0x1], $0xffff  }
0x13b: {  	v39 =	vld.idx.msk [tilespmem:v4+s30+$0x2000 ss:$0x1], $0xffff;
	_ =	sdelay $0x2  }
0x13c: {  	v40 =	vmpcnt.ones.xlane vm12  }
0x13d: {  	v41 =	vmpcnt.ones.xlane vm13;
	vm14 =	vge.f32 v7, v6  }
0x13e: {  	(v2sf) =	vpush v40, $0x0;
	vm15 =	vge.f32 v39, v5;
	v7 =	vmpcnt.ones.xlane vm14  }
0x13f: {  	(v2sf) =	vpush v41, $0x0;
	v8 =	vmpcnt.ones.xlane vm15  }
0x140: {  	(v2sf) =	vpush v7, $0x0  }
0x141: {  	(v2sf) =	vpush v8, $0x0;
	_ =	sdelay $0x7  }
0x142: {  	s13 =	sadd.s32 $0xFFFFFFE0, s29  }
0x143: {  	s6 =	sand.u32 $0x50, s13  }
0x144: {  	s6 =	sadd.s32 s6, s19;
	v42 =	vld.idx.msk [tilespmem:v4+s30+$0x10 ss:$0x1], $0xffff  }
0x145: {  	v43 =	vld.idx.msk [tilespmem:v4+s6+$0x0 ss:$0x1], $0xffff  }
0x146: {  	s17 =	spop (v2sf)  }
0x147: {  	v44 =	vor.u32 s5, v0;
	s1 =	sadd.s32 s1, s17;
	s18 =	spop (v2sf)  }
0x148: {  	[tilespmem:s1+$0x10080] =	vst.msk vm14, v44;
	s4 =	sadd.s32 s4, s18;
	s19 =	spop (v2sf)  }
0x149: {  	v45 =	vor.u32 s5, v1;
	s20 =	sadd.s32 $0xFFFFFBF0, s29;
	vm4 =	vge.f32 v42, v6;
	[tilespmem:s4+$0x10500] =	vst.msk vm15, v44;
	s1 =	sadd.s32 s1, s19;
	s21 =	spop (v2sf)  }
0x14a: {  	s23 =	sadd.s32 $0xFFFFFFF0, s29;
	s22 =	sand.u32 $0x60, s20;
	vm5 =	vge.f32 v43, v5;
	s4 =	sadd.s32 s4, s21;
	[tilespmem:s1+$0x10080] =	vst.msk vm4, v45  }
0x14b: {  	s24 =	sadd.s32 s22, s15;
	s8 =	sand.u32 $0x60, s23;
	[tilespmem:s4+$0x10500] =	vst.msk vm5, v45  }
0x14c: {  	s2 =	sadd.s32 s8, s2;
	v46 =	vld.idx.msk [tilespmem:v4+s24+$0x0 ss:$0x1], $0xffff  }
0x14d: {  	v47 =	vld.idx.msk [tilespmem:v4+s2+$0x0 ss:$0x1], $0xffff;
	_ =	sdelay $0x2  }
0x14e: {  	v48 =	vmpcnt.ones.xlane vm4  }
0x14f: {  	v49 =	vmpcnt.ones.xlane vm5;
	vm6 =	vge.f32 v46, v6  }
0x150: {  	(v2sf) =	vpush v48, $0x0;
	vm7 =	vge.f32 v47, v5;
	v7 =	vmpcnt.ones.xlane vm6  }
0x151: {  	(v2sf) =	vpush v49, $0x0;
	v8 =	vmpcnt.ones.xlane vm7  }
0x152: {  	(v2sf) =	vpush v7, $0x0  }
0x153: {  	(v2sf) =	vpush v8, $0x0;
	_ =	sdelay $0x8  }
0x154: {  	s9 =	sand.u32 $0x70, s29  }
0x155: {  	s2 =	sadd.s32 s9, s31;
	v50 =	vld.idx.msk [tilespmem:v4+s30+$0x30 ss:$0x1], $0xffff  }
0x156: {  	v51 =	vld.idx.msk [tilespmem:v4+s2+$0x0 ss:$0x1], $0xffff  }
0x157: {  	s10 =	spop (v2sf)  }
0x158: {  	v52 =	vor.u32 s20, v0;
	s1 =	sadd.s32 s1, s10;
	s11 =	spop (v2sf)  }
0x159: {  	s2 =	sadd.s32 s4, s11;
	[tilespmem:s1+$0x10080] =	vst.msk vm6, v52;
	s13 =	spop (v2sf)  }
0x15a: {  	v53 =	vor.u32 s20, v1;
	vm8 =	vge.f32 v50, v6;
	[tilespmem:s2+$0x10500] =	vst.msk vm7, v52;
	s1 =	sadd.s32 s1, s13;
	s15 =	spop (v2sf)  }
0x15b: {  	vm9 =	vge.f32 v51, v5;
	s2 =	sadd.s32 s2, s15;
	[tilespmem:s1+$0x10080] =	vst.msk vm8, v53  }
0x15c: {  	s17 =	sadd.s32 s16, s12;
	[tilespmem:s2+$0x10500] =	vst.msk vm9, v53  }
0x15d: {  	v7 =	vld.idx.msk [tilespmem:v4+s17+$0x0 ss:$0x1], $0xffff  }
0x15e: {  	v54 =	vld.idx.msk [tilespmem:v4+s17+$0x2000 ss:$0x1], $0xffff;
	_ =	sdelay $0x2  }
0x15f: {  	v55 =	vmpcnt.ones.xlane vm8  }
0x160: {  	v56 =	vmpcnt.ones.xlane vm9;
	vm10 =	vge.f32 v7, v6  }
0x161: {  	(v2sf) =	vpush v55, $0x0;
	vm11 =	vge.f32 v54, v5;
	v7 =	vmpcnt.ones.xlane vm10  }
0x162: {  	(v2sf) =	vpush v56, $0x0;
	v8 =	vmpcnt.ones.xlane vm11  }
0x163: {  	(v2sf) =	vpush v7, $0x0  }
0x164: {  	(v2sf) =	vpush v8, $0x0;
	_ =	sdelay $0x6  }
0x165: {  	s18 =	sadd.s32 $0x2080, s28  }
0x166: {  	s5 =	sand.u32 $0x3C00, s18;
	s19 =	sadd.s32 $0xFFFFFFE0, s0  }
0x167: {  	s5 =	sadd.s32 s5, s26;
	s6 =	sand.u32 $0x50, s19  }
0x168: {  	s5 =	sadd.s32 s6, s5;
	v57 =	vld.idx.msk [tilespmem:v4+s17+$0x10 ss:$0x1], $0xffff  }
0x169: {  	v58 =	vld.idx.msk [tilespmem:v4+s5+$0x0 ss:$0x1], $0xffff  }
0x16a: {  	s21 =	sadd.s32 $0x2100, s28;
	s20 =	spop (v2sf)  }
0x16b: {  	v59 =	vor.u32 s14, v0;
	s6 =	sand.u32 $0x3C00, s21;
	s22 =	spop (v2sf);
	s5 =	sadd.s32 s1, s20  }
0x16c: {  	s30 =	sadd.s32 $0xFFFFFFF0, s0;
	s2 =	sadd.s32 s2, s22;
	[tilespmem:s5+$0x10080] =	vst.msk vm10, v59;
	s23 =	spop (v2sf)  }
0x16d: {  	v60 =	vor.u32 s14, v1;
	s1 =	sadd.s32 $0xFFFFFBF0, s0;
	vm12 =	vge.f32 v57, v6;
	[tilespmem:s2+$0x10500] =	vst.msk vm11, v59;
	s5 =	sadd.s32 s5, s23;
	s24 =	spop (v2sf)  }
0x16e: {  	s6 =	sadd.s32 s6, s26;
	s29 =	sand.u32 $0x60, s1;
	vm13 =	vge.f32 v58, v5;
	s2 =	sadd.s32 s2, s24;
	[tilespmem:s5+$0x10080] =	vst.msk vm12, v60  }
0x16f: {  	s10 =	sand.u32 $0x60, s30;
	s11 =	sadd.s32 $0x2180, s28;
	s31 =	sadd.s32 s29, s12;
	[tilespmem:s2+$0x10500] =	vst.msk vm13, v60  }
0x170: {  	s6 =	sadd.s32 s10, s6;
	s12 =	sand.u32 $0x3C00, s11;
	v61 =	vld.idx.msk [tilespmem:v4+s31+$0x0 ss:$0x1], $0xffff  }
0x171: {  	s14 =	sand.u32 $0x70, s0;
	s13 =	sadd.s32 s12, s26;
	v62 =	vld.idx.msk [tilespmem:v4+s6+$0x0 ss:$0x1], $0xffff  }
0x172: {  	s0 =	sadd.s32 s14, s13;
	v9 =	vld.idx.msk [tilespmem:v4+s17+$0x30 ss:$0x1], $0xffff  }
0x173: {  	v4 =	vld.idx.msk [tilespmem:v4+s0+$0x0 ss:$0x1], $0xffff  }
0x174: {  	v63 =	vmpcnt.ones.xlane vm12  }
0x175: {  	v11 =	vmpcnt.ones.xlane vm13;
	vm3 =	vge.f32 v61, v6  }
0x176: {  	(v2sf) =	vpush v63, $0x0;
	vm2 =	vge.f32 v62, v5;
	v7 =	vmpcnt.ones.xlane vm3  }
0x177: {  	(v2sf) =	vpush v11, $0x0;
	vm14 =	vge.f32 v9, v6;
	v8 =	vmpcnt.ones.xlane vm2  }
0x178: {  	vm15 =	vge.f32 v4, v5;
	v6 =	vmpcnt.ones.xlane vm14;
	(v2sf) =	vpush v7, $0x0  }
0x179: {  	v4 =	vmpcnt.ones.xlane vm15;
	(v2sf) =	vpush v8, $0x0  }
0x17a: {  	(v2sf) =	vpush v6, $0x0  }
0x17b: {  	(v2sf) =	vpush v4, $0x0;
	_ =	sdelay $0x9  }
0x17c: {  	s15 =	spop (v2sf)  }
0x17d: {  	s16 =	spop (v2sf)  }
0x17e: {  	s17 =	spop (v2sf)  }
0x17f: {  	s0 =	sadd.s32 s5, s15;
	s2 =	sadd.s32 s2, s16;
	v4 =	vor.u32 s1, v0;
	s18 =	spop (v2sf)  }
0x180: {  	[tilespmem:s0+$0x10080] =	vst.msk vm3, v4;
	s6 =	sadd.s32 s0, s17;
	s0 =	simm.s32 $0x1;
	s19 =	spop (v2sf)  }
0x181: {  	s5 =	sadd.s32 s2, s18;
	s7 =	sadd.s32 s6, s19;
	s21 =	spop (v2sf)  }
0x182: {  	[tilespmem:s2+$0x10500] =	vst.msk vm2, v4;
	s2 =	simm.s32 $0x1;
	s20 =	sadd.s32 $0x1F, s7;
	s8 =	sadd.s32 s5, s21  }
0x183: {  	s22 =	sshra.s32 s20, $0x1F;
	s23 =	sand.u32 $0x1F, s20;
	s24 =	sadd.s32 $0x1F, s8  }
0x184: {  	p0 =	slt.s32 s20, $0x1;
	s9 =	sshrl.u32 s22, $0x1B;
	p1 =	sne.s32 s23, $0x0  }
0x185: {  	s26 =	sand.u32 $0x1F, s24;
	p6 =	slt.s32 s24, $0x1;
	s30 =	sshra.s32 s24, $0x1F  }
0x186: {  	s9 =	sadd.s32 s9, s20;
	p0 =	por !p0, !p1;
	p2 =	sne.s32 s26, $0x0  }
0x187: {  	p1 =	por !p6, !p2;
	s29 =	sshra.s32 s9, $0x5;
	s9 =	sshrl.u32 s30, $0x1B  }
0x188: {  	p0 =	por !p0, !p0;
	s31 =	sadd.s32 s9, s24;
	p1 =	por !p1, !p1  }
0x189: {  	v4 =	vor.u32 s1, v1;
	s0 =	simm.s32 @!p0 $0x0;
	s1 =	sshra.s32 s31, $0x5;
	s2 =	simm.s32 @!p1 $0x0  }
0x18a: {  	s26 =	ssub.s32 s29, s0;
	s0 =	ssub.s32 s1, s2  }
0x18b: {  	p0 =	sgt.s32 s26, s0;
	s28 =	smov.u32 s0  }
0x18c: {  	s28 =	smov.u32 @p0 s26  }
0x18d: {  	[tilespmem:s6+$0x10080] =	vst.msk vm14, v4;
	p0 =	slt.s32 s28, $0x1  }
.Ltmp7:
0x18e: {  	[tilespmem:s5+$0x10500] =	vst.msk vm15, v4;
	(pc) =	sbr.rel @p0 .LBB2_6-.Ltmp7, $4  }
0x18f: {  	[tilespmem:s7+$0x10080] =	vst v2  }
0x190: {  	[tilespmem:s7+$0x10090] =	vst v2  }
0x191: {  	[tilespmem:s8+$0x10500] =	vst v2  }
0x192: {  	[tilespmem:s8+$0x10510] =	vst v2  }
0x193: {  	s1 =	simm.s32 $0x10510  }
0x194: {  	v4 =	vld [tilespmem:s1+$0x0]  }
0x195: {  	v5 =	vmov s25;
	v6 =	vld [tilespmem:s1+$0xFFFFFFF0]  }
0x196: {  	v7 =	vshll.u32 v5, $0xB;
	v5 =	vshll.u32 v5, $0x7  }
0x197: {  	v7 =	vand.u32 $0xC000, v7;
	v5 =	vand.u32 $0x380, v5  }
0x198: {  	s31 =	simm.s32 $0x10090;
	v7 =	vor.u32 v7, v5  }
0x199: {  	v34 =	vld [tilespmem:s31+$0xFFFFFFF0];
	v8 =	vor.u32 $0x2000, v7;
	v5 =	vshll.u32 v4, $0x3  }
0x19a: {  	v9 =	vld [tilespmem:s31+$0x0];
	v10 =	vand.u32 $0x7F, v4;
	v11 =	vshll.u32 v6, $0x3;
	v5 =	vand.u32 $0x1C00, v5  }
0x19b: {  	v11 =	vand.u32 $0x1C00, v11;
	v5 =	vor.u32 v5, v10;
	v10 =	vand.u32 $0x7F, v6  }
0x19c: {  	v5 =	vor.u32 v8, v5;
	v10 =	vor.u32 v11, v10  }
0x19d: {  	v10 =	vor.u32 v8, v10  }
0x19e: {  	v12 =	vshll.u32 v34, $0x3  }
0x19f: {  	v63 =	vand.u32 $0x7F, v34;
	v12 =	vand.u32 $0x1C00, v12;
	v11 =	vshll.u32 v9, $0x3  }
0x1a0: {  	v13 =	vand.u32 $0x7F, v9;
	v12 =	vor.u32 v12, v63;
	v11 =	vand.u32 $0x1C00, v11  }
0x1a1: {  	v12 =	vor.u32 v7, v12;
	v11 =	vor.u32 v11, v13;
	v5 =	vld.idx.msk [tilespmem:v5+s3+$0x0], $0xffff  }
0x1a2: {  	p3 =	sne.s32 s28, $0x1;
	v11 =	vor.u32 v7, v11;
	v10 =	vld.idx.msk [tilespmem:v10+s3+$0x0], $0xffff  }
.Ltmp8:
0x1a3: {  	_ = 	snop;
	(pc) =	sbr.rel @!p3 .LBB2_8-.Ltmp8, $4  }
0x1a4: {  	_ = 	snop  }
0x1a5: {  	s30 =	simm.s32 $0x0;
	v4 =	vand.u32 $0x3FF, v4  }
0x1a6: {  	s29 =	simm.s32 $0x1;
	s2 =	simm.s32 $0x10530;
	p0 =	por $0x0, $0x0;
	v6 =	vand.u32 $0x3FF, v6;
	v27 =	vld.idx.msk [tilespmem:v12+s3+$0x0], $0xffff;
	(xrf1) =	vsort.dscd.msk.f32 $0xffff, v5, v4  }
0x1a7: {  	p1 =	por $0x0, $0x0;
	p2 =	por $0x0, $0x0;
	s1 =	simm.s32 $0x100B0;
	v36 =	vand.u32 $0x3FF, v9;
	v35 =	vld.idx.msk [tilespmem:v11+s3+$0x0], $0xffff;
	v5 =	vimm.f32 $-3.000000010e+38;
	v4 =	vimm.s32 $0x40000000;
	(xrf1) =	vsort.dscd.msk.f32 $0xffff, v10, v6  }
0x1a8: {  	v6 =	vld [tilespmem:s2+$0x0];
	_ =	sdelay $0x1  }
0x1a9: {  	v9 =	vld [tilespmem:s2+$0xFFFFFFF0];
	_ =	sdelay $0x1  }
0x1aa: {  	(xrf1) =	vsort.dscd.msk.f32 $0xffff, v35, v36  }
0x1ab: {  	v10 =	vand.u32 $0x3FF, v34;
	v11 =	vshll.u32 v6, $0x3  }
0x1ac: {  	(xrf1) =	vsort.dscd.msk.f32 $0xffff, v27, v10;
	v10 =	vand.u32 $0x7F, v6;
	v11 =	vand.u32 $0x1C00, v11  }
0x1ad: {  	v12 =	vshll.u32 v9, $0x3;
	v10 =	vor.u32 v11, v10  }
0x1ae: {  	v34 =	vld [tilespmem:s1+$0xFFFFFFF0];
	v12 =	vand.u32 $0x1C00, v12;
	v11 =	vand.u32 $0x7F, v9;
	v10 =	vor.u32 v8, v10  }
0x1af: {  	v13 =	vld [tilespmem:s1+$0x0];
	v11 =	vor.u32 v12, v11  }
0x1b0: {  	v11 =	vor.u32 v8, v11;
	_ =	sdelay $0x2  }
0x1b1: {  	v10 =	vld.idx.msk [tilespmem:v10+s3+$0x0], $0xffff  }
0x1b2: {  	v15 =	vshll.u32 v34, $0x3;
	v16 =	vshll.u32 v13, $0x3;
	v17 =	vand.u32 $0x7F, v13  }
0x1b3: {  	v22 =	vand.u32 $0x7F, v34;
	v6 =	vand.u32 $0x3FF, v6;
	v16 =	vand.u32 $0x1C00, v16;
	v63, v14, _ =	vpop (xrf1);
	v11 =	vld.idx.msk [tilespmem:v11+s3+$0x0], $0xffff  }
0x1b4: {  	v15 =	vand.u32 $0x1C00, v15;
	v16 =	vor.u32 v16, v17;
	v12 =	vperm.xlane v63, v3  }
0x1b5: {  	v15 =	vor.u32 v15, v22;
	v16 =	vor.u32 v7, v16;
	v19, v20, _ =	vpop (xrf1);
	v14 =	vperm.xlane v14, v3  }
0x1b6: {  	p3 =	sne.s32 s28, $0x2;
	v9 =	vand.u32 $0x3FF, v9;
	v15 =	vor.u32 v7, v15;
	vm0 =	vge.f32 v19, v12;
	v18, v21, _ =	vpop (xrf1);
	(xrf1) =	vsort.dscd.msk.f32 $0xffff, v10, v6  }
.Ltmp9:
0x1b7: {  	v6 =	vsel vm0, v20, v14;
	v10 =	vsel vm0, v12, v19;
	v18 =	vperm.xlane v18, v3;
	(pc) =	sbr.rel @!p3 .LBB2_10-.Ltmp9, $4  }
0x1b8: {  	v17 =	vperm.xlane v21, v3;
	v31, v30, _ =	vpop (xrf1);
	(xrf1) =	vsort.dscd.msk.f32 $0xffff, v11, v9;
	v9 =	vsel vm0, v19, v12  }
0x1b9: {  	v11 =	vsel vm0, v14, v20;
	(xrf1) =	vsort.dscd.msk.f32 $0xffff, v9, v6;
	vm1 =	vge.f32 v31, v18  }
0x1ba: {  	s31 =	simm.s32 $0x2;
	v35 =	vld.idx.msk [tilespmem:v16+s3+$0x0], $0xffff;
	(xrf1) =	vsort.dscd.msk.f32 $0xffff, v10, v11;
	v6 =	vsel vm1, v31, v18;
	v9 =	vsel vm1, v30, v17  }
0x1bb: {  	s2 =	simm.s32 $0x10550;
	s1 =	simm.s32 $0x100D0;
	p0 =	por $0x1, $0x1;
	v36 =	vand.u32 $0x3FF, v13;
	v27 =	vld.idx.msk [tilespmem:v15+s3+$0x0], $0xffff;
	(xrf1) =	vsort.dscd.msk.f32 $0xffff, v6, v9  }
0x1bc: {  	_ =	sdelay $0x1  }
0x1bd: {  	v11 =	vld [tilespmem:s2+$0x0]  }
0x1be: {  	v12 =	vld [tilespmem:s2+$0xFFFFFFF0];
	(xrf1) =	vsort.dscd.msk.f32 $0xffff, v35, v36;
	_ =	sdelay $0x2  }
0x1bf: {  	v6 =	vsel vm1, v18, v31;
	v9 =	vsel vm1, v17, v30  }
0x1c0: {  	(xrf1) =	vsort.dscd.msk.f32 $0xffff, v6, v9;
	v6 =	vand.u32 $0x3FF, v34;
	v9 =	vshll.u32 v11, $0x3  }
0x1c1: {  	v34 =	vld [tilespmem:s1+$0xFFFFFFF0];
	v10 =	vand.u32 $0x7F, v11;
	v13 =	vshll.u32 v12, $0x3;
	(xrf1) =	vsort.dscd.msk.f32 $0xffff, v27, v6;
	v9 =	vand.u32 $0x1C00, v9  }
0x1c2: {  	v14 =	vld [tilespmem:s1+$0x0];
	v6 =	vor.u32 v9, v10  }
0x1c3: {  	v10 =	vand.u32 $0x1C00, v13;
	v6 =	vor.u32 v8, v6  }
0x1c4: {  	v9 =	vand.u32 $0x7F, v12;
	v13, v15, _ =	vpop (xrf1)  }
0x1c5: {  	v9 =	vor.u32 v10, v9;
	v16, v19, _ =	vpop (xrf1)  }
0x1c6: {  	v9 =	vor.u32 v8, v9;
	v20 =	vshll.u32 v34, $0x3;
	v13 =	vperm.xlane v13, v3;
	v10, v17, _ =	vpop (xrf1)  }
0x1c7: {  	v15 =	vperm.xlane v15, v3;
	v18, v21, _ =	vpop (xrf1);
	v23 =	vperm.xlane v10, v3;
	v10 =	vshll.u32 v14, $0x3  }
0x1c8: {  	v22 =	vperm.xlane v18, v3;
	v18 =	vand.u32 $0x7F, v14;
	v10 =	vand.u32 $0x1C00, v10;
	v26 =	vld.idx.msk [tilespmem:v6+s3+$0x0], $0xffff  }
0x1c9: {  	v20 =	vand.u32 $0x1C00, v20;
	vm0 =	vge.f32 v16, v13;
	v24, v25, _ =	vpop (xrf1);
	v10 =	vor.u32 v10, v18  }
0x1ca: {  	v6 =	vperm.xlane v17, v3;
	v21 =	vperm.xlane v21, v3;
	v32 =	vor.u32 v7, v10;
	v27, v28, _ =	vpop (xrf1)  }
0x1cb: {  	v10 =	vperm.xlane v25, v3;
	v25 =	vand.u32 $0x3FF, v11;
	v17 =	vperm.xlane v28, v3;
	v28 =	vld.idx.msk [tilespmem:v9+s3+$0x0], $0xffff  }
0x1cc: {  	vm2 =	vge.f32 v5, v22;
	v18 =	vperm.xlane v27, v3;
	v27 =	vand.u32 $0x7F, v34  }
0x1cd: {  	v12 =	vand.u32 $0x3FF, v12;
	(xrf1) =	vsort.dscd.msk.f32 $0xffff, v26, v25;
	v25 =	vsel vm0, v19, v15;
	v20 =	vor.u32 v20, v27  }
0x1ce: {  	p3 =	sne.s32 s28, $0x3;
	v9, v29, _ =	vpop (xrf1);
	v26 =	vsel vm0, v16, v13;
	v13 =	vsel vm0, v13, v16;
	v20 =	vor.u32 v7, v20  }
.Ltmp10:
0x1cf: {  	v15 =	vsel vm0, v15, v19;
	vm0 =	vge.f32 v5, v23;
	v9 =	vperm.xlane v9, v3;
	v31, v30, _ =	vpop (xrf1);
	(pc) =	sbr.rel @!p3 .LBB2_12-.Ltmp10, $4  }
0x1d0: {  	v11 =	vperm.xlane v29, v3;
	vm1 =	vge.f32 v31, v18;
	(xrf1) =	vsort.dscd.msk.f32 $0xffff, v28, v12  }
0x1d1: {  	v36 =	vand.u32 $0x3FF, v14;
	v14 =	vsel vm1, v31, v18;
	v12 =	vsel vm2, v4, v21;
	(xrf1) =	vsort.dscd.msk.f32 $0xffff, v26, v25  }
0x1d2: {  	s2 =	simm.s32 $0x3;
	v35 =	vld.idx.msk [tilespmem:v32+s3+$0x0], $0xffff;
	(xrf1) =	vsort.dscd.msk.f32 $0xffff, v13, v15;
	v15 =	vsel vm1, v30, v17;
	v13 =	vsel vm2, v5, v22  }
0x1d3: {  	s4 =	simm.s32 $0x10570;
	p1 =	por $0x1, $0x1;
	s1 =	simm.s32 $0x100F0;
	v27 =	vld.idx.msk [tilespmem:v20+s3+$0x0], $0xffff;
	(xrf1) =	vsort.dscd.msk.f32 $0xffff, v14, v15;
	v15 =	vperm.xlane v24, v3;
	v14 =	vsel vm0, v5, v23  }
0x1d4: {  	_ = 	snop  }
0x1d5: {  	v16 =	vld [tilespmem:s4+$0x0]  }
0x1d6: {  	v21 =	vld [tilespmem:s4+$0xFFFFFFF0]  }
0x1d7: {  	v18 =	vsel vm1, v18, v31;
	v17 =	vsel vm1, v17, v30;
	(xrf1) =	vsort.dscd.msk.f32 $0xffff, v35, v36  }
0x1d8: {  	vm1 =	vge.f32 v13, v14;
	v20 =	vand.u32 $0x3FF, v34;
	(xrf1) =	vsort.dscd.msk.f32 $0xffff, v18, v17;
	v17 =	vsel vm0, v4, v6  }
0x1d9: {  	vm3 =	vge.f32 v5, v9;
	v18 =	vsel vm1, v13, v14;
	v19 =	vsel vm1, v12, v17  }
0x1da: {  	vm2 =	vge.f32 v5, v15;
	v22 =	vsel vm1, v14, v13;
	v23 =	vand.u32 $0x7F, v16;
	(xrf1) =	vsort.dscd.msk.f32 $0xffff, v18, v19  }
0x1db: {  	v26 =	vld [tilespmem:s1+$0xFFFFFFF0];
	v17 =	vsel vm1, v17, v12;
	v28 =	vshll.u32 v21, $0x3;
	v18 =	vshll.u32 v16, $0x3;
	(xrf1) =	vsort.dscd.msk.f32 $0xffff, v27, v20  }
0x1dc: {  	v28 =	vand.u32 $0x1C00, v28;
	v18 =	vand.u32 $0x1C00, v18;
	(xrf1) =	vsort.dscd.msk.f32 $0xffff, v22, v17;
	v17 =	vand.u32 $0x7F, v21  }
0x1dd: {  	v25 =	vsel vm3, v5, v9;
	v18 =	vor.u32 v18, v23;
	v23, v24, _ =	vpop (xrf1);
	v17 =	vor.u32 v28, v17  }
0x1de: {  	v31 =	vsel vm3, v4, v11;
	v19 =	vsel vm2, v5, v15;
	v27 =	vld [tilespmem:s1+$0x0];
	v18 =	vor.u32 v8, v18;
	v22, v54, _ =	vpop (xrf1)  }
0x1df: {  	v29 =	vsel vm2, v4, v10;
	v16 =	vand.u32 $0x3FF, v16;
	vm1 =	vge.f32 v25, v19;
	v28, v30, _ =	vpop (xrf1)  }
0x1e0: {  	v20 =	vshll.u32 v26, $0x3;
	v33 =	vsel vm1, v19, v25;
	v32 =	vor.u32 v8, v17;
	v17, v55, _ =	vpop (xrf1)  }
0x1e1: {  	v19 =	vsel vm1, v25, v19;
	v38 =	vperm.xlane v17, v3;
	v17 =	vsel vm1, v29, v31  }
0x1e2: {  	v20 =	vand.u32 $0x1C00, v20;
	v21 =	vand.u32 $0x3FF, v21;
	v23 =	vperm.xlane v23, v3;
	(xrf1) =	vsort.dscd.msk.f32 $0xffff, v33, v17  }
0x1e3: {  	v24 =	vperm.xlane v24, v3;
	v39 =	vperm.xlane v28, v3;
	v56 =	vshll.u32 v27, $0x3;
	v41 =	vld.idx.msk [tilespmem:v18+s3+$0x0], $0xffff  }
0x1e4: {  	v28 =	vperm.xlane v30, v3;
	v40, v30, _ =	vpop (xrf1);
	v31 =	vsel vm1, v31, v29;
	vm1 =	vge.f32 v22, v23  }
0x1e5: {  	v57 =	vand.u32 $0x1C00, v56;
	v35 =	vperm.xlane v55, v3;
	v17 =	vand.u32 $0x7F, v27;
	v60 =	vld.idx.msk [tilespmem:v32+s3+$0x0], $0xffff;
	v58, v37, _ =	vpop (xrf1);
	(xrf1) =	vsort.dscd.msk.f32 $0xffff, v19, v31  }
0x1e6: {  	v29 =	vperm.xlane v30, v3;
	v40 =	vperm.xlane v40, v3;
	v18 =	vor.u32 v57, v17  }
0x1e7: {  	v42 =	vor.u32 v7, v18;
	v17 =	vperm.xlane v37, v3;
	v25, v59, _ =	vpop (xrf1);
	v18 =	vperm.xlane v58, v3  }
0x1e8: {  	v32 =	vperm.xlane v25, v3;
	v25 =	vand.u32 $0x7F, v26;
	v33 =	vperm.xlane v59, v3;
	(xrf1) =	vsort.dscd.msk.f32 $0xffff, v41, v16  }
0x1e9: {  	p2 =	sgt.s32 s0, $0x0;
	v16 =	vsel vm1, v54, v24;
	v24 =	vsel vm1, v24, v54;
	v25 =	vor.u32 v20, v25;
	v20, v30, _ =	vpop (xrf1)  }
0x1ea: {  	v36 =	vand.u32 $0x3FF, v27;
	(xrf1) =	vsort.dscd.msk.f32 $0xffff, v60, v21;
	v21 =	vsel vm1, v22, v23;
	v19 =	vpsel p2, v20, v5  }
0x1eb: {  	p3 =	sne.s32 s28, $0x4;
	v20 =	vpsel p2, v30, v4;
	v25 =	vor.u32 v7, v25;
	vm3 =	vge.f32 v19, v38  }
.Ltmp11:
0x1ec: {  	v23 =	vsel vm1, v23, v22;
	v31, v30, _ =	vpop (xrf1);
	(xrf1) =	vsort.dscd.msk.f32 $0xffff, v21, v16;
	v37 =	vsel vm3, v20, v35;
	v35 =	vld.idx.msk [tilespmem:v42+s3+$0x0], $0xffff;
	(pc) =	sbr.rel @!p3 .LBB2_14-.Ltmp11, $4  }
0x1ed: {  	v21 =	vimm.s32 $0x40000000;
	v61, v43, _ =	vpop (xrf1);
	vm1 =	vge.f32 v31, v18;
	(xrf1) =	vsort.dscd.msk.f32 $0xffff, v23, v24;
	v24 =	vimm.f32 $-3.000000010e+38  }
0x1ee: {  	v23 =	vimm.s32 $0x40000000;
	v22 =	vpsel p2, v61, v5;
	v16 =	vpsel p2, v43, v4  }
0x1ef: {  	s6 =	simm.s32 $0x4;
	s7 =	simm.s32 $0x10590;
	v62 =	vsel vm1, v31, v18;
	v63 =	vsel vm1, v30, v17;
	vm2 =	vge.f32 v22, v39  }
0x1f0: {  	s9 =	simm.s32 $0x10110;
	s5 =	simm.s32 $0x0;
	v38 =	vsel vm3, v19, v38;
	p2 =	por $0x1, $0x1;
	(xrf1) =	vsort.dscd.msk.f32 $0xffff, v62, v63;
	v39 =	vsel vm2, v22, v39;
	v27 =	vld.idx.msk [tilespmem:v25+s3+$0x0], $0xffff;
	v25 =	vimm.f32 $-3.000000010e+38;
	v42, v41, _ =	vpop (xrf1)  }
.LBB2_15:
0x1f1: {  	v34 =	vld [tilespmem:s7+$0x0];
	(xrf1) =	vsort.dscd.msk.f32 $0xffff, v35, v36;
	v18 =	vsel vm1, v18, v31;
	v17 =	vsel vm1, v17, v30;
	s1 =	smov.u32 s6;
	s6 =	sadd.s32 $0x1, s6  }
0x1f2: {  	vm1 =	vge.f32 v38, v39;
	p4 =	slt.s32 s5, s26;
	s5 =	smov.u32 s29;
	v30 =	vld [tilespmem:s9+$0xFFFFFFF0];
	p3 =	sne.s32 s28, s6;
	(xrf1) =	vsort.dscd.msk.f32 $0xffff, v18, v17;
	v17 =	vsel vm2, v16, v28  }
0x1f3: {  	s29 =	smov.u32 s31;
	s31 =	smov.u32 s2;
	v18 =	vsel vm1, v38, v39;
	v21 =	vpsel p4, v41, v21;
	s2 =	smov.u32 s1;
	v28 =	vsel vm1, v37, v17;
	v31, v35, _ =	vpop (xrf1)  }
0x1f4: {  	v25 =	vpsel p4, v42, v25;
	v36 =	vld [tilespmem:s7+$0xFFFFFFF0];
	v24 =	vpsel p4, v31, v24;
	v23 =	vpsel p4, v35, v23  }
0x1f5: {  	v41 =	vand.u32 $0x3FF, v26;
	vm3 =	vge.f32 v25, v40;
	vm2 =	vge.f32 v24, v32;
	(xrf1) =	vsort.dscd.msk.f32 $0xffff, v18, v28  }
0x1f6: {  	v28 =	vsel vm1, v39, v38;
	v18 =	vshll.u32 v34, $0x3;
	(xrf1) =	vsort.dscd.msk.f32 $0xffff, v27, v41;
	v27 =	vsel vm3, v25, v40  }
0x1f7: {  	v17 =	vsel vm1, v17, v37;
	v38 =	vand.u32 $0x7F, v34;
	v18 =	vand.u32 $0x1C00, v18;
	v26 =	vmovc v30  }
0x1f8: {  	v32 =	vsel vm2, v24, v32;
	v30 =	vshll.u32 v26, $0x3;
	v18 =	vor.u32 v18, v38;
	v31, v35, _ =	vpop (xrf1)  }
0x1f9: {  	vm1 =	vge.f32 v32, v27;
	v38 =	vld [tilespmem:s9+$0x0];
	v42 =	vshll.u32 v36, $0x3;
	v18 =	vor.u32 v8, v18;
	v39, v40, _ =	vpop (xrf1);
	(xrf1) =	vsort.dscd.msk.f32 $0xffff, v28, v17  }
0x1fa: {  	v29 =	vsel vm3, v21, v29;
	v45 =	vand.u32 $0x7F, v36;
	v41 =	vand.u32 $0x1C00, v42  }
0x1fb: {  	v33 =	vsel vm2, v23, v33;
	v44 =	vor.u32 v41, v45;
	v28, v37, _ =	vpop (xrf1)  }
0x1fc: {  	v42 =	vperm.xlane v31, v3;
	v31 =	vsel vm1, v27, v32;
	v41 =	vor.u32 v8, v44;
	v17, v43, _ =	vpop (xrf1)  }
0x1fd: {  	v45 =	vperm.xlane v28, v3;
	v44 =	vperm.xlane v17, v3;
	v17 =	vsel vm1, v29, v33  }
0x1fe: {  	v47 =	vperm.xlane v35, v3;
	v28 =	vperm.xlane v37, v3;
	v49 =	vshll.u32 v38, $0x3;
	v48, v35, _ =	vpop (xrf1);
	(xrf1) =	vsort.dscd.msk.f32 $0xffff, v31, v17  }
0x1ff: {  	v29 =	vsel vm1, v33, v29;
	v17 =	vand.u32 $0x7F, v38;
	v31 =	vand.u32 $0x1C00, v49;
	v37 =	vld.idx.msk [tilespmem:v18+s3+$0x0], $0xffff;
	v18, v46, _ =	vpop (xrf1)  }
0x200: {  	v27 =	vsel vm1, v32, v27;
	v31 =	vor.u32 v31, v17;
	v17 =	vperm.xlane v46, v3;
	v33, v46, _ =	vpop (xrf1)  }
0x201: {  	v18 =	vperm.xlane v18, v3;
	v49 =	vor.u32 v7, v31;
	v41 =	vld.idx.msk [tilespmem:v41+s3+$0x0], $0xffff;
	(xrf1) =	vsort.dscd.msk.f32 $0xffff, v27, v29  }
0x202: {  	p4 =	slt.s32 s5, s0;
	vm1 =	vge.f32 v39, v42;
	v32 =	vperm.xlane v33, v3;
	v29 =	vperm.xlane v35, v3  }
0x203: {  	v50 =	vand.u32 $0x1C00, v30;
	v27 =	vand.u32 $0x7F, v26;
	v33 =	vperm.xlane v46, v3;
	v35, v46, _ =	vpop (xrf1)  }
0x204: {  	v27 =	vor.u32 v50, v27;
	v31, v30, _ =	vpop (xrf1);
	v19 =	vpsel p4, v35, v19;
	v20 =	vpsel p4, v46, v20  }
0x205: {  	v34 =	vand.u32 $0x3FF, v34;
	v36 =	vand.u32 $0x3FF, v36;
	v27 =	vor.u32 v7, v27  }
0x206: {  	v35 =	vld.idx.msk [tilespmem:v49+s3+$0x0], $0xffff;
	(xrf1) =	vsort.dscd.msk.f32 $0xffff, v37, v34;
	v34 =	vsel vm1, v40, v47;
	v37 =	vperm.xlane v43, v3  }
0x207: {  	vm3 =	vge.f32 v19, v44;
	(xrf1) =	vsort.dscd.msk.f32 $0xffff, v41, v36;
	v41 =	vsel vm1, v39, v42;
	v43, v46, _ =	vpop (xrf1)  }
.Ltmp12:
0x208: {  	v40 =	vsel vm1, v47, v40;
	v39 =	vsel vm1, v42, v39;
	v37 =	vsel vm3, v20, v37;
	(pc) =	sbr.rel @p3 .LBB2_15-.Ltmp12, $4  }
0x209: {  	v36 =	vand.u32 $0x3FF, v38;
	v22 =	vpsel p4, v43, v22;
	v16 =	vpsel p4, v46, v16;
	(xrf1) =	vsort.dscd.msk.f32 $0xffff, v41, v34  }
0x20a: {  	vm1 =	vge.f32 v31, v18;
	vm2 =	vge.f32 v22, v45;
	v27 =	vld.idx.msk [tilespmem:v27+s3+$0x0], $0xffff;
	(xrf1) =	vsort.dscd.msk.f32 $0xffff, v39, v40  }
0x20b: {  	v38 =	vsel vm3, v19, v44;
	v34 =	vsel vm1, v31, v18;
	v39 =	vsel vm1, v30, v17  }
0x20c: {  	s7 =	sadd.s32 $0x20, s7;
	s9 =	sadd.s32 $0x20, s9;
	v40 =	vperm.xlane v48, v3;
	(xrf1) =	vsort.dscd.msk.f32 $0xffff, v34, v39;
	v39 =	vsel vm2, v22, v45;
	v42, v41, _ =	vpop (xrf1)  }
0x20d: {  	s1 =	smov.u32 s29;
	s29 =	smov.u32 s2;
	v34 =	vmov v26  }
.LBB2_17:
0x20e: {  	(xrf1) =	vsort.dscd.msk.f32 $0xffff, v35, v36;
	v7 =	vsel @p0 vm1, v18, v31  }
0x20f: {  	v8 =	vsel @p0 vm1, v17, v30;
	v17 =	vsel @p1 vm2, v16, v28;
	vm1 =	vge.f32 @p1 v38, v39  }
0x210: {  	p3 =	slt.s32 @p2 s5, s26;
	(xrf1) =	vsort.dscd.msk.f32 @p0 $0xffff, v7, v8;
	v7 =	vsel @p1 vm1, v38, v39;
	v8 =	vsel @p1 vm1, v37, v17  }
0x211: {  	p3 =	por !p3, !p2;
	v17 =	vsel @p1 vm1, v17, v37;
	(xrf1) =	vsort.dscd.msk.f32 @p1 $0xffff, v7, v8;
	v8 =	vand.u32 $0x3FF, v34  }
0x212: {  	v7 =	vpsel p3, v25, v42;
	v18, v25, _ =	vpop @p2 (xrf1);
	(xrf1) =	vsort.dscd.msk.f32 $0xffff, v27, v8;
	v8 =	vsel @p1 vm1, v39, v38  }
0x213: {  	v18 =	vpsel p3, v24, v18;
	v7 =	vpsel p2, v7, v5;
	v60 =	vpsel p3, v23, v25  }
0x214: {  	(xrf1) =	vsort.dscd.msk.f32 @p1 $0xffff, v8, v17;
	v8 =	vpsel p3, v21, v41;
	v17 =	vpsel p2, v18, v5  }
0x215: {  	vm1 =	vge.f32 @p1 v7, v40;
	v18 =	vpsel p2, v60, v4;
	vm2 =	vge.f32 @p1 v17, v32  }
0x216: {  	v21 =	vsel @p1 vm1, v7, v40;
	v8 =	vpsel p2, v8, v4;
	v25 =	vsel @p1 vm2, v17, v32  }
0x217: {  	v62, v61, _ =	vpop (xrf1);
	v28 =	vsel @p1 vm1, v8, v29;
	v29 =	vsel @p1 vm2, v18, v33;
	vm3 =	vge.f32 @p1 v25, v21  }
0x218: {  	v26, v63, _ =	vpop (xrf1);
	v23 =	vperm.xlane v62, v3;
	v24 =	vperm.xlane v61, v3;
	v32 =	vsel @p1 vm3, v21, v25  }
0x219: {  	v33 =	vsel @p1 vm3, v28, v29;
	v28 =	vsel @p1 vm3, v29, v28;
	v21 =	vsel @p1 vm3, v25, v21;
	v30, v31, _ =	vpop @p0 (xrf1)  }
0x21a: {  	(xrf1) =	vsort.dscd.msk.f32 @p1 $0xffff, v32, v33;
	vm9 =	vge.f32 v26, v23;
	v34, v35, _ =	vpop @p0 (xrf1);
	v30 =	vperm.xlane @p0 v30, v3  }
0x21b: {  	v31 =	vperm.xlane @p0 v31, v3;
	(xrf1) =	vsort.dscd.msk.f32 @p1 $0xffff, v21, v28;
	v47 =	vsel vm9, v63, v24  }
0x21c: {  	v50 =	vsel vm9, v26, v23;
	v23 =	vsel vm9, v23, v26;
	v32 =	vperm.xlane @p0 v34, v3;
	v33, v34, _ =	vpop @p0 (xrf1)  }
0x21d: {  	v24 =	vsel vm9, v24, v63;
	(xrf1) =	vsort.dscd.msk.f32 $0xffff, v50, v47;
	v34 =	vperm.xlane @p0 v34, v3;
	v36, v44, _ =	vpop (xrf1)  }
0x21e: {  	p2 =	slt.s32 @p1 s1, s0;
	v35 =	vperm.xlane @p0 v35, v3;
	(xrf1) =	vsort.dscd.msk.f32 $0xffff, v23, v24;
	v6 =	vpsel p0, v31, v6;
	v37, v38, _ =	vpop @p0 (xrf1)  }
0x21f: {  	p2 =	por !p2, !p1;
	v45 =	vperm.xlane v44, v3;
	v46 =	vperm.xlane v36, v3;
	v10 =	vpsel p0, v34, v10;
	v28, v36, _ =	vpop @p1 (xrf1)  }
0x220: {  	v21 =	vperm.xlane @p0 v37, v3;
	v37 =	vperm.xlane @p0 v38, v3;
	v19 =	vpsel p2, v19, v28  }
0x221: {  	v20 =	vpsel p2, v20, v36;
	v49, v48, _ =	vpop (xrf1);
	v28 =	vperm.xlane @p0 v33, v3;
	v19 =	vpsel p1, v19, v5  }
0x222: {  	v40, v41, _ =	vpop @p1 (xrf1);
	v20 =	vpsel p1, v20, v4;
	vm10 =	vge.f32 v49, v46;
	v9 =	vpsel p0, v21, v9  }
0x223: {  	v11 =	vpsel p0, v37, v11;
	vm2 =	vge.f32 @p0 v19, v32;
	v22 =	vpsel p2, v22, v40  }
0x224: {  	v51 =	vpsel p2, v16, v41;
	v52 =	vsel vm10, v49, v46;
	v53 =	vsel vm10, v48, v45  }
0x225: {  	v15 =	vpsel p0, v28, v15;
	v55 =	vsel vm10, v46, v49;
	v56 =	vsel vm10, v45, v48  }
0x226: {  	v26 =	vsel @p0 vm2, v20, v35;
	v22 =	vpsel p1, v22, v5;
	v27 =	vsel @p0 vm2, v19, v32  }
0x227: {  	v16 =	vpsel p1, v51, v4;
	vm3 =	vge.f32 @p0 v22, v30;
	v13 =	vpsel p0, v27, v13  }
0x228: {  	s1 =	smov.u32 @p1 s1;
	(xrf1) =	vsort.dscd.msk.f32 $0xffff, v52, v53;
	v12 =	vpsel p0, v26, v12;
	v23 =	vsel @p0 vm3, v22, v30;
	vm0 =	vmmov @p0 vm3  }
0x229: {  	p2 =	slt.s32 @p1 s1, s26;
	v24, v30, _ =	vpop @p1 (xrf1);
	v14 =	vpsel p0, v23, v14;
	(xrf1) =	vsort.dscd.msk.f32 $0xffff, v55, v56;
	v6 =	vsel @p0 vm0, v16, v6  }
0x22a: {  	p2 =	por !p2, !p1;
	v54 =	vpsel p1, v30, v0;
	v24 =	vpsel p1, v24, v0;
	vm0 =	vge.f32 @p0 v13, v14  }
0x22b: {  	v21 =	vsel @p0 vm0, v13, v14;
	v25 =	vsel @p0 vm0, v12, v6;
	v8 =	vpsel p2, v8, v54  }
0x22c: {  	v23, v26, _ =	vpop @p1 (xrf1);
	v7 =	vpsel p2, v7, v24;
	v13 =	vsel @p0 vm0, v14, v13;
	v6 =	vsel @p0 vm0, v6, v12  }
0x22d: {  	v17 =	vpsel p2, v17, v23;
	v18 =	vpsel p2, v18, v26;
	v7 =	vpsel p1, v7, v5  }
0x22e: {  	(xrf1) =	vsort.dscd.msk.f32 @p0 $0xffff, v21, v25;
	v8 =	vpsel p1, v8, v4;
	v17 =	vpsel p1, v17, v5  }
0x22f: {  	vm1 =	vge.f32 @p0 v7, v15;
	(xrf1) =	vsort.dscd.msk.f32 @p0 $0xffff, v13, v6;
	vm0 =	vge.f32 @p0 v17, v9  }
0x230: {  	v12 =	vsel @p0 vm1, v7, v15;
	v6 =	vsel @p0 vm0, v17, v9;
	v9 =	vpsel p1, v18, v4  }
0x231: {  	v10 =	vsel @p0 vm1, v8, v10;
	vm2 =	vge.f32 @p0 v6, v12;
	v11 =	vsel @p0 vm0, v9, v11  }
0x232: {  	v13 =	vsel @p0 vm2, v12, v6;
	v14 =	vsel @p0 vm2, v10, v11  }
0x233: {  	(xrf1) =	vsort.dscd.msk.f32 @p0 $0xffff, v13, v14  }
0x234: {  	v10 =	vsel @p0 vm2, v11, v10;
	v6 =	vsel @p0 vm2, v6, v12  }
0x235: {  	(xrf1) =	vsort.dscd.msk.f32 @p0 $0xffff, v6, v10;
	_ =	sdelay $0x2  }
0x236: {  	s1 =	smov.u32 @p0 s31;
	v6, v10, _ =	vpop (xrf1)  }
0x237: {  	s30 =	smov.u32 @p0 s1;
	v11, v57, _ =	vpop (xrf1)  }
0x238: {  	s1 =	smov.u32 @p0 s30;
	v6 =	vperm.xlane v6, v3;
	v10 =	vperm.xlane v10, v3;
	v13, v14, _ =	vpop (xrf1)  }
0x239: {  	p1 =	slt.s32 @p0 s1, s0;
	v11 =	vperm.xlane v11, v3;
	v12 =	vperm.xlane v57, v3;
	v58, v59, _ =	vpop (xrf1)  }
0x23a: {  	p1 =	por !p1, !p0;
	v14 =	vperm.xlane v14, v3;
	v13 =	vperm.xlane v13, v3;
	v21, v23, _ =	vpop @p0 (xrf1)  }
0x23b: {  	v15 =	vperm.xlane v58, v3;
	v19 =	vpsel p1, v19, v21;
	v20 =	vpsel p1, v20, v23;
	v21, v23, _ =	vpop @p0 (xrf1)  }
0x23c: {  	v18 =	vperm.xlane v59, v3;
	v19 =	vpsel p0, v19, v5;
	v21 =	vpsel p1, v22, v21  }
0x23d: {  	v20 =	vpsel p0, v20, v4;
	v16 =	vpsel p1, v16, v23;
	v21 =	vpsel p0, v21, v5  }
0x23e: {  	vm11 =	vge.f32 v19, v11;
	v16 =	vpsel p0, v16, v4;
	vm12 =	vge.f32 v21, v6  }
0x23f: {  	s1 =	smov.u32 @p0 s1;
	v12 =	vsel vm11, v20, v12;
	v11 =	vsel vm11, v19, v11;
	v6 =	vsel vm12, v21, v6;
	v22, v23, _ =	vpop @p0 (xrf1)  }
0x240: {  	p1 =	slt.s32 @p0 s1, s26;
	v10 =	vsel vm12, v16, v10;
	vm0 =	vge.f32 v11, v6;
	v23 =	vpsel p0, v23, v0  }
0x241: {  	p1 =	por !p1, !p0;
	v22 =	vpsel p0, v22, v0;
	v60 =	vsel vm0, v11, v6;
	v61 =	vsel vm0, v12, v10;
	v26, v27, _ =	vpop @p0 (xrf1)  }
0x242: {  	v6 =	vsel vm0, v6, v11;
	v8 =	vpsel p1, v8, v23;
	v17 =	vpsel p1, v17, v26  }
0x243: {  	v7 =	vpsel p1, v7, v22;
	v9 =	vpsel p1, v9, v27;
	(xrf1) =	vsort.dscd.msk.f32 $0xffff, v60, v61  }
0x244: {  	v17 =	vpsel p0, v17, v5;
	v22 =	vpsel p0, v7, v5;
	v7 =	vsel vm0, v10, v12  }
0x245: {  	v8 =	vpsel p0, v8, v4;
	vm13 =	vge.f32 v17, v15;
	vm14 =	vge.f32 v22, v13  }
0x246: {  	v11 =	vpsel p0, v9, v4;
	v5 =	vsel vm14, v22, v13;
	v10 =	vsel vm13, v17, v15  }
0x247: {  	v4 =	vsel vm14, v8, v14;
	v9 =	vsel vm13, v11, v18;
	vm15 =	vge.f32 v10, v5  }
0x248: {  	(xrf1) =	vsort.dscd.msk.f32 $0xffff, v6, v7;
	v6 =	vsel vm15, v5, v10;
	v7 =	vsel vm15, v4, v9  }
0x249: {  	v4 =	vsel vm15, v9, v4;
	v5 =	vsel vm15, v10, v5;
	(xrf1) =	vsort.dscd.msk.f32 $0xffff, v6, v7  }
0x24a: {  	(xrf1) =	vsort.dscd.msk.f32 $0xffff, v5, v4;
	_ =	sdelay $0xa  }
.Ltmp13:
0x24b: {  	v4, v5, _ =	vpop (xrf1);
	(pc) =	sbr.rel .LBB2_18-.Ltmp13, $4  }
0x24c: {  	p5 =	slt.s32 s29, s0;
	v7, v10, _ =	vpop (xrf1)  }
0x24d: {  	p6 =	slt.s32 s29, s26;
	v6 =	vpsel p5, v4, v19;
	v4 =	vpsel p5, v5, v20;
	v62, v5, _ =	vpop (xrf1)  }
0x24e: {  	v9 =	vpsel p5, v7, v21;
	v7 =	vpsel p5, v10, v16;
	v5 =	vpsel p6, v5, v8;
	v8, v63, _ =	vpop (xrf1)  }
0x24f: {  	v10 =	vpsel p6, v8, v17;
	v8 =	vpsel p6, v63, v11;
	v11 =	vpsel p6, v62, v22  }
.LBB2_8:
.Ltmp14:
0x250: {  	(pc) =	sbr.rel .LBB2_17-.Ltmp14, $4  }
0x251: {  	_ = 	snop  }
0x252: {  	v16 =	vimm.s32 $0x40000000;
	v21 =	vimm.s32 $0x40000000  }
0x253: {  	v24 =	vimm.f32 $-3.000000010e+38;
	v23 =	vimm.s32 $0x40000000;
	v25 =	vimm.f32 $-3.000000010e+38  }
0x254: {  	s29 =	simm.s32 $0x0;
	v19 =	vimm.f32 $-3.000000010e+38;
	v20 =	vimm.s32 $0x40000000;
	v22 =	vimm.f32 $-3.000000010e+38  }
.LBB2_10:
.Ltmp15:
0x255: {  	(pc) =	sbr.rel .LBB2_17-.Ltmp15, $4  }
0x256: {  	_ = 	snop  }
0x257: {  	v16 =	vimm.s32 $0x40000000;
	v21 =	vimm.s32 $0x40000000  }
0x258: {  	v24 =	vimm.f32 $-3.000000010e+38;
	v23 =	vimm.s32 $0x40000000;
	v25 =	vimm.f32 $-3.000000010e+38  }
0x259: {  	s31 =	simm.s32 $0x0;
	v19 =	vimm.f32 $-3.000000010e+38;
	v20 =	vimm.s32 $0x40000000;
	v22 =	vimm.f32 $-3.000000010e+38  }
.LBB2_12:
.Ltmp16:
0x25a: {  	(pc) =	sbr.rel .LBB2_17-.Ltmp16, $4  }
0x25b: {  	v16 =	vimm.s32 $0x40000000;
	v21 =	vimm.s32 $0x40000000;
	v24 =	vimm.f32 $-3.000000010e+38  }
0x25c: {  	v23 =	vimm.s32 $0x40000000;
	v25 =	vimm.f32 $-3.000000010e+38;
	vm2 =	vmmov vm0;
	v28 =	vmovc v6  }
0x25d: {  	v38 =	vmovc v13;
	v39 =	vmovc v14;
	v37 =	vmov v12;
	v32 =	vmov v9;
	v29 =	vmov v10  }
0x25e: {  	s1 =	simm.s32 $0x0;
	s31 =	simm.s32 $0x1;
	s29 =	simm.s32 $0x2;
	v33 =	vmovc v11;
	v19 =	vimm.f32 $-3.000000010e+38;
	v20 =	vimm.s32 $0x40000000;
	v22 =	vimm.f32 $-3.000000010e+38;
	v40 =	vmovc v15  }
.LBB2_14:
.Ltmp17:
0x25f: {  	(pc) =	sbr.rel .LBB2_17-.Ltmp17, $3  }
0x260: {  	_ =	sdelay $0x1  }
0x261: {  	v21 =	vimm.s32 $0x40000000  }
0x262: {  	s5 =	simm.s32 $0x0;
	s1 =	simm.s32 $0x1;
	s29 =	simm.s32 $0x3;
	v24 =	vimm.f32 $-3.000000010e+38;
	v23 =	vimm.s32 $0x40000000;
	v25 =	vimm.f32 $-3.000000010e+38;
	v34 =	vmovc v26  }
.LBB2_21:
0x263: {  	_ =	sfence.sel $0x180000  }
0x264: {  	[bflag:$0x0] =	sbarrier.arrive $0xFFFF  }
0x265: {  	_ =	strace $0x90000047  }
0x266: {  	s0 =	stileid.u32;
	[bflag:$0x2] =	sbarrier.arrive $0xFFFF  }
0x267: {  	p0 =	sne.s32 s0, $0x0;
	s0 =	rddreg [dreg:$0x3]  }
0x268: {  	s0 =	sadd.s32 @!p0 $0x100000, s0  }
0x269: {  	[sflag:s0] =	ssyncadd.tile.s32 @!p0 $0x1;
	_ =	shalt  }
.Lfunc_end2:
_tile_overlayer_lowered:
.L_overlay_start_2:
0x26a: {  	(tag) =	ssettag $0x2  }
0x26b: {  	s0 =	rddreg [dreg:$0x0];
	s2 =	stileid.u32  }
0x26c: {  	s1 =	rddreg [dreg:$0x1];
	p0 =	sne.s32 s2, $0x0  }
0x26d: {  	s3 =	rddreg [dreg:$0x2];
	[bflag:$0x3] =	sbarrier.arrive $0xFFFF;
	s2 =	simm.s32 @!p0 $0x1C01  }
0x26e: {  	[timem:s3], [sflag:s2] =	dma.local @!p0 [hbm:s0], s1  }
0x26f: {  	s0 =	simm.s32 @!p0 $0x1  }
0x270: {  	_ =	swait.ge @!p0 [sflag:s0], s1  }
0x271: {  	s1 =	ssub.s32 @!p0 $0x0, s1;
	[sflag:s0] =	ssyncset.done @!p0 $0x0  }
0x272: {  	[sflag:s0] =	ssyncadd.s32 @!p0 s1  }
0x273: {  	[bflag:$0x3] =	sbarrier.arrive $0xFFFF  }
0x274: {  	_ =	shalt  }

</sc_bundles>
